<compile_context>
chip_gen: v7x
topology: tpu7x:2x2x1
jax: 0.10.2.dev20260603
libtpu: 0.0.44.dev20260713+nightly
codegen_flags: <defaults>
</compile_context>

<pallas_src>
import functools

import jax
import jax.numpy as jnp
from jax import lax
from jax.experimental import pallas as pl
from jax.experimental.pallas import tpu as pltpu
from jax.experimental.pallas import tpu_sc as plsc

_HIDDEN = 1024
_NUM_OPS = 8
_N_TOK = 4096
_BLK = 512
_NB = _N_TOK // _BLK + _NUM_OPS
_NPAD = _NB * _BLK




@functools.lru_cache(maxsize=None)
def _make_sc_gather(n_out: int, n_table: int):
    info = plsc.get_sparse_core_info()
    n_workers = info.num_cores * info.num_subcores
    rows_per_w = n_out // n_workers
    chunk = 32
    n_chunks = rows_per_w // chunk
    assert rows_per_w % chunk == 0 and n_out % n_workers == 0

    mesh = plsc.VectorSubcoreMesh(core_axis_name="c", subcore_axis_name="s")

    @functools.partial(
        pl.kernel,
        mesh=mesh,
        out_type=jax.ShapeDtypeStruct((n_out, _HIDDEN), jnp.float32),
        scratch_types=[
            pltpu.VMEM((2, chunk), jnp.int32),
            pltpu.VMEM((2, chunk, _HIDDEN), jnp.float32),
            pltpu.SemaphoreType.DMA,
            pltpu.SemaphoreType.DMA,
            pltpu.SemaphoreType.DMA,
            pltpu.SemaphoreType.DMA,
        ],
    )
    def gather(table_hbm, idx_hbm, out_hbm, idx_v, rows_v, g0, g1, w0, w1):
        gs, ws = (g0, g1), (w0, w1)
        wid = lax.axis_index("s") * info.num_cores + lax.axis_index("c")
        base = wid * rows_per_w
        gh = [None] * n_chunks
        wh = [None] * n_chunks
        pltpu.sync_copy(idx_hbm.at[pl.ds(base, chunk)], idx_v.at[0])
        gh[0] = pltpu.async_copy(table_hbm.at[idx_v.at[0]], rows_v.at[0], gs[0])
        for c in range(n_chunks):
            buf = c & 1
            if c + 1 < n_chunks:
                nb = buf ^ 1
                if c >= 1:
                    wh[c - 1].wait()
                pltpu.sync_copy(
                    idx_hbm.at[pl.ds(base + (c + 1) * chunk, chunk)], idx_v.at[nb])
                gh[c + 1] = pltpu.async_copy(
                    table_hbm.at[idx_v.at[nb]], rows_v.at[nb], gs[nb])
            gh[c].wait()
            wh[c] = pltpu.async_copy(
                rows_v.at[buf], out_hbm.at[pl.ds(base + c * chunk, chunk)], ws[buf])
        for c in range(max(0, n_chunks - 2), n_chunks):
            wh[c].wait()

    return gather


def _gather_rows(table, idx):
    return _make_sc_gather(idx.shape[0], table.shape[0])(table, idx)




@functools.lru_cache(maxsize=None)
def _make_sc_scatter(n_in: int, n_out: int):
    info = plsc.get_sparse_core_info()
    n_workers = info.num_cores * info.num_subcores
    rows_per_w = n_in // n_workers
    chunk = 32
    n_chunks = rows_per_w // chunk
    assert rows_per_w % chunk == 0 and n_in % n_workers == 0

    mesh = plsc.VectorSubcoreMesh(core_axis_name="c", subcore_axis_name="s")

    @functools.partial(
        pl.kernel,
        mesh=mesh,
        out_type=jax.ShapeDtypeStruct((n_out, _HIDDEN), jnp.float32),
        scratch_types=[
            pltpu.VMEM((2, chunk), jnp.int32),
            pltpu.VMEM((2, chunk, _HIDDEN), jnp.float32),
            pltpu.SemaphoreType.DMA,
            pltpu.SemaphoreType.DMA,
            pltpu.SemaphoreType.DMA,
            pltpu.SemaphoreType.DMA,
        ],
    )
    def scatter(x_hbm, idx_hbm, out_hbm, idx_v, rows_v, l0, l1, s0, s1):
        ls, ss = (l0, l1), (s0, s1)
        wid = lax.axis_index("s") * info.num_cores + lax.axis_index("c")
        base = wid * rows_per_w
        lh = [None] * n_chunks
        sh = [None] * n_chunks
        pltpu.sync_copy(idx_hbm.at[pl.ds(base, chunk)], idx_v.at[0])
        lh[0] = pltpu.async_copy(x_hbm.at[pl.ds(base, chunk)], rows_v.at[0], ls[0])
        for c in range(n_chunks):
            buf = c & 1
            if c + 1 < n_chunks:
                nb = buf ^ 1
                if c >= 1:
                    sh[c - 1].wait()
                r1 = base + (c + 1) * chunk
                pltpu.sync_copy(idx_hbm.at[pl.ds(r1, chunk)], idx_v.at[nb])
                lh[c + 1] = pltpu.async_copy(
                    x_hbm.at[pl.ds(r1, chunk)], rows_v.at[nb], ls[nb])
            lh[c].wait()
            sh[c] = pltpu.async_copy(rows_v.at[buf], out_hbm.at[idx_v.at[buf]], ss[buf])
        for c in range(max(0, n_chunks - 2), n_chunks):
            sh[c].wait()

    return scatter


def _scatter_rows(x, idx, n_out):
    return _make_sc_scatter(x.shape[0], n_out)(x, idx)




def _mlp_body(meta_ref, x_ref, w1_ref, b1_ref, w2_ref, b2_ref, o_ref):
    b = pl.program_id(0)

    @pl.when(b < meta_ref[_NB])
    def _():
        h = jnp.dot(x_ref[...], w1_ref[0], preferred_element_type=jnp.float32)
        h = jnp.maximum(h + b1_ref[0], 0.0)
        y = jnp.dot(h, w2_ref[0], preferred_element_type=jnp.float32)
        o_ref[...] = jnp.maximum(y + b2_ref[0], 0.0)


def _grouped_mlp(x_pad, W1, b1, W2, b2, meta):
    def _xo(b, m):
        return (jnp.minimum(b, m[_NB] - 1), 0)

    grid_spec = pltpu.PrefetchScalarGridSpec(
        num_scalar_prefetch=1,
        grid=(_NB,),
        in_specs=[
            pl.BlockSpec((_BLK, _HIDDEN), _xo),
            pl.BlockSpec((1, _HIDDEN, _HIDDEN), lambda b, m: (m[b], 0, 0)),
            pl.BlockSpec((1, 1, _HIDDEN), lambda b, m: (m[b], 0, 0)),
            pl.BlockSpec((1, _HIDDEN, _HIDDEN), lambda b, m: (m[b], 0, 0)),
            pl.BlockSpec((1, 1, _HIDDEN), lambda b, m: (m[b], 0, 0)),
        ],
        out_specs=pl.BlockSpec((_BLK, _HIDDEN), _xo),
    )
    return pl.pallas_call(
        _mlp_body,
        grid_spec=grid_spec,
        out_shape=jax.ShapeDtypeStruct((_NPAD, _HIDDEN), jnp.float32),
    )(meta, x_pad, W1, b1[:, None, :], W2, b2[:, None, :])




def _routing(chosen_ops):
    chosen = chosen_ops.astype(jnp.int32)
    onehot = (chosen[:, None] == jnp.arange(_NUM_OPS, dtype=jnp.int32)[None, :])
    counts = jnp.sum(onehot, axis=0, dtype=jnp.int32)
    nblk = (counts + _BLK - 1) // _BLK
    blk_end = jnp.cumsum(nblk)
    blk_start = jnp.concatenate([jnp.zeros(1, jnp.int32), blk_end[:-1]])
    num_active = blk_end[-1]
    oh32 = onehot.astype(jnp.int32)
    incl = jnp.cumsum(oh32, axis=0)
    rank = jnp.sum(incl * oh32, axis=1) - 1
    slot = blk_start[chosen] * _BLK + rank
    bids = jnp.arange(_NB, dtype=jnp.int32)
    eb = jnp.searchsorted(blk_end, bids, side="right").astype(jnp.int32)
    last_e = eb[jnp.maximum(num_active - 1, 0)]
    eb = jnp.where(bids < num_active, jnp.minimum(eb, _NUM_OPS - 1), last_e)
    meta = jnp.concatenate([eb, num_active[None]]).astype(jnp.int32)
    return slot, meta


def kernel(x, W1, b1, W2, b2, chosen_ops):
    slot, meta = _routing(chosen_ops)
    x_pad = _scatter_rows(x, slot, _NPAD)
    y_pad = _grouped_mlp(x_pad, W1, b1, W2, b2, meta)
    return _gather_rows(y_pad, slot)

# --- scband reference (transcript-rebuilt; emitter-appended) ---
"""Pipeline reference for scband-temper-5729486372964 (READ-ONLY COPY).

The authoritative reference and input builder live on the scoring server;
editing this copy changes nothing except your own understanding.
"""

import jax, jax.numpy as jnp
import numpy as np

HIDDEN = 1024
NUM_OPS = 8
N_TOK = 4096


def setup_inputs(seed: int = 0) -> dict:
    key = jax.random.key(seed)
    ks = jax.random.split(key, 7)
    x = jax.random.normal(ks[0], (N_TOK, HIDDEN), dtype=jnp.float32)
    s = 1.0 / np.sqrt(HIDDEN)
    # per-operator 2-layer MLP params (nn.Linear default init: U(-1/sqrt(fan_in), 1/sqrt(fan_in)))
    W1 = jax.random.uniform(ks[1], (NUM_OPS, HIDDEN, HIDDEN), minval=-s, maxval=s, dtype=jnp.float32)
    b1 = jax.random.uniform(ks[2], (NUM_OPS, HIDDEN), minval=-s, maxval=s, dtype=jnp.float32)
    W2 = jax.random.uniform(ks[3], (NUM_OPS, HIDDEN, HIDDEN), minval=-s, maxval=s, dtype=jnp.float32)
    b2 = jax.random.uniform(ks[4], (NUM_OPS, HIDDEN), minval=-s, maxval=s, dtype=jnp.float32)
    # operator_logits are zeros -> softmax is uniform; Categorical sample realized with a fixed key
    chosen_ops = jax.random.randint(ks[5], (N_TOK,), 0, NUM_OPS, dtype=jnp.int32)
    return {"x": x, "W1": W1, "b1": b1, "W2": W2, "b2": b2, "chosen_ops": chosen_ops}


def reference(x, W1, b1, W2, b2, chosen_ops):
    # Temper.apply_operators: each token is routed to one sampled operator (top-1 MoE),
    # operator = Linear->ReLU->Linear->ReLU. operator_freshness buffer is zero at init,
    # so no freshness scaling branch is taken.
    out = jnp.zeros_like(x)
    for i in range(NUM_OPS):
        h = jax.nn.relu(x @ W1[i] + b1[i])
        y = jax.nn.relu(h @ W2[i] + b2[i])
        mask = (chosen_ops == i)[:, None]
        out = jnp.where(mask, y, out)
    return out

if __name__ == "__main__":
    import jax
    _d = setup_inputs()
    print(jax.jit(kernel)(*tuple(_d.values())))

</pallas_src>

<mosaic_0001>
#map = affine_map<(d0, d1) -> (0, 0)>
#map1 = affine_map<(d0, d1) -> (0)>
module attributes {stable_mosaic.version = 14 : i64} {
  func.func @scatter(%arg0: i32, %arg1: i32, %arg2: memref<4096x1024xf32, #tpu.memory_space<hbm>>, %arg3: memref<4096xi32, #tpu.memory_space<hbm>>, %arg4: memref<8192x1024xf32, #tpu.memory_space<hbm>>, %arg5: memref<2x32xi32, #tpu.memory_space<vmem>>, %arg6: memref<2x32x1024xf32, #tpu.memory_space<vmem>>, %arg7: memref<!tpu.dma_semaphore, #tpu.memory_space<semaphore_mem>>, %arg8: memref<!tpu.dma_semaphore, #tpu.memory_space<semaphore_mem>>, %arg9: memref<!tpu.dma_semaphore, #tpu.memory_space<semaphore_mem>>, %arg10: memref<!tpu.dma_semaphore, #tpu.memory_space<semaphore_mem>>) attributes {dimension_semantics = [#tpu.dimension_semantics<core_parallel>, #tpu.dimension_semantics<subcore_parallel>], iteration_bounds = array<i64: 2, 16>, scalar_prefetch = 0 : i64, scratch_operands = 6 : i64, tpu.core_type = #tpu.core_type<sc_vector_subcore>, window_params = [{transform_indices = #map}, {transform_indices = #map1}, {transform_indices = #map}]} {
    %mul3A = arith.constant 2 : i32
    %mul3A_0 = arith.muli %arg1, %mul3A : i32
    %add3A = arith.addi %mul3A_0, %arg0 : i32
    %mul3A_1 = arith.constant 128 : i32
    %mul3A_2 = arith.muli %add3A, %mul3A_1 : i32
    %run_scoped3A = arith.constant 0 : i32
    "tpu.region"() ({
      %run_scoped3A_210 = tpu.sem_alloc : memref<!tpu.dma_semaphore, #tpu.memory_space<semaphore_mem>>
      %dma_start3A_211 = arith.constant 0 : i32
      %dma_start3A_212 = tpu.memref_slice %arg5[%run_scoped3A, %dma_start3A_211] : memref<2x32xi32, #tpu.memory_space<vmem>> -> memref<1x32xi32, #tpu.memory_space<vmem>>
      %dma_start3A_213 = tpu.memref_squeeze %dma_start3A_212 : memref<1x32xi32, #tpu.memory_space<vmem>> -> memref<32xi32, #tpu.memory_space<vmem>>
      %dma_start3A_214 = tpu.memref_slice %arg3[%mul3A_2] : memref<4096xi32, #tpu.memory_space<hbm>> -> memref<32xi32, #tpu.memory_space<hbm>>
      %dma_start3A_215 = arith.constant 0 : i32
      %dma_start3A_216 = tpu.memref_slice %arg5[%run_scoped3A, %dma_start3A_215] : memref<2x32xi32, #tpu.memory_space<vmem>> -> memref<1x32xi32, #tpu.memory_space<vmem>>
      %dma_start3A_217 = tpu.memref_squeeze %dma_start3A_216 : memref<1x32xi32, #tpu.memory_space<vmem>> -> memref<32xi32, #tpu.memory_space<vmem>>
      %dma_start3A_218 = tpu.memref_slice %arg3[%mul3A_2] : memref<4096xi32, #tpu.memory_space<hbm>> -> memref<32xi32, #tpu.memory_space<hbm>>
      tpu.enqueue_dma source(%dma_start3A_218 : memref<32xi32, #tpu.memory_space<hbm>>) target(%dma_start3A_217 : memref<32xi32, #tpu.memory_space<vmem>>) target_semaphore(%run_scoped3A_210 : memref<!tpu.dma_semaphore, #tpu.memory_space<semaphore_mem>>)
      %dma_wait3A_219 = arith.constant 0 : i32
      %dma_wait3A_220 = tpu.memref_slice %arg5[%run_scoped3A, %dma_wait3A_219] : memref<2x32xi32, #tpu.memory_space<vmem>> -> memref<1x32xi32, #tpu.memory_space<vmem>>
      %dma_wait3A_221 = tpu.memref_squeeze %dma_wait3A_220 : memref<1x32xi32, #tpu.memory_space<vmem>> -> memref<32xi32, #tpu.memory_space<vmem>>
      %dma_wait3A_222 = tpu.memref_slice %arg3[%mul3A_2] : memref<4096xi32, #tpu.memory_space<hbm>> -> memref<32xi32, #tpu.memory_space<hbm>>
      %dma_wait3A_223 = arith.constant 0 : i32
      %dma_wait3A_224 = tpu.memref_slice %arg5[%run_scoped3A, %dma_wait3A_223] : memref<2x32xi32, #tpu.memory_space<vmem>> -> memref<1x32xi32, #tpu.memory_space<vmem>>
      %dma_wait3A_225 = tpu.memref_squeeze %dma_wait3A_224 : memref<1x32xi32, #tpu.memory_space<vmem>> -> memref<32xi32, #tpu.memory_space<vmem>>
      %dma_wait3A_226 = tpu.memref_slice %arg3[%mul3A_2] : memref<4096xi32, #tpu.memory_space<hbm>> -> memref<32xi32, #tpu.memory_space<hbm>>
      tpu.wait_dma2 semaphore(%run_scoped3A_210 : memref<!tpu.dma_semaphore, #tpu.memory_space<semaphore_mem>>) src(%dma_wait3A_226 : memref<32xi32, #tpu.memory_space<hbm>>) dst(%dma_wait3A_225 : memref<32xi32, #tpu.memory_space<vmem>>)
      tpu.yield
    }) : () -> ()
    %dma_start3A = arith.constant 0 : i32
    %dma_start3A_3 = arith.constant 0 : i32
    %dma_start3A_4 = arith.constant 0 : i32
    %dma_start3A_5 = tpu.memref_slice %arg6[%dma_start3A, %dma_start3A_3, %dma_start3A_4] : memref<2x32x1024xf32, #tpu.memory_space<vmem>> -> memref<1x32x1024xf32, #tpu.memory_space<vmem>>
    %dma_start3A_6 = tpu.memref_squeeze %dma_start3A_5 : memref<1x32x1024xf32, #tpu.memory_space<vmem>> -> memref<32x1024xf32, #tpu.memory_space<vmem>>
    %dma_start3A_7 = arith.constant 0 : i32
    %dma_start3A_8 = tpu.memref_slice %arg2[%mul3A_2, %dma_start3A_7] : memref<4096x1024xf32, #tpu.memory_space<hbm>> -> memref<32x1024xf32, #tpu.memory_space<hbm>>
    %dma_start3A_9 = arith.constant 0 : i32
    %dma_start3A_10 = arith.constant 0 : i32
    %dma_start3A_11 = tpu.memref_slice %arg6[%dma_start3A, %dma_start3A_9, %dma_start3A_10] : memref<2x32x1024xf32, #tpu.memory_space<vmem>> -> memref<1x32x1024xf32, #tpu.memory_space<vmem>>
    %dma_start3A_12 = tpu.memref_squeeze %dma_start3A_11 : memref<1x32x1024xf32, #tpu.memory_space<vmem>> -> memref<32x1024xf32, #tpu.memory_space<vmem>>
    %dma_start3A_13 = arith.constant 0 : i32
    %dma_start3A_14 = tpu.memref_slice %arg2[%mul3A_2, %dma_start3A_13] : memref<4096x1024xf32, #tpu.memory_space<hbm>> -> memref<32x1024xf32, #tpu.memory_space<hbm>>
    tpu.enqueue_dma source(%dma_start3A_14 : memref<32x1024xf32, #tpu.memory_space<hbm>>) target(%dma_start3A_12 : memref<32x1024xf32, #tpu.memory_space<vmem>>) target_semaphore(%arg7 : memref<!tpu.dma_semaphore, #tpu.memory_space<semaphore_mem>>)
    %add3A_15 = arith.constant 32 : i32
    %add3A_16 = arith.addi %mul3A_2, %add3A_15 : i32
    %run_scoped3A_17 = arith.constant 1 : i32
    "tpu.region"() ({
      %run_scoped3A_210 = tpu.sem_alloc : memref<!tpu.dma_semaphore, #tpu.memory_space<semaphore_mem>>
      %dma_start3A_211 = arith.constant 0 : i32
      %dma_start3A_212 = tpu.memref_slice %arg5[%run_scoped3A_17, %dma_start3A_211] : memref<2x32xi32, #tpu.memory_space<vmem>> -> memref<1x32xi32, #tpu.memory_space<vmem>>
      %dma_start3A_213 = tpu.memref_squeeze %dma_start3A_212 : memref<1x32xi32, #tpu.memory_space<vmem>> -> memref<32xi32, #tpu.memory_space<vmem>>
      %dma_start3A_214 = tpu.memref_slice %arg3[%add3A_16] : memref<4096xi32, #tpu.memory_space<hbm>> -> memref<32xi32, #tpu.memory_space<hbm>>
      %dma_start3A_215 = arith.constant 0 : i32
      %dma_start3A_216 = tpu.memref_slice %arg5[%run_scoped3A_17, %dma_start3A_215] : memref<2x32xi32, #tpu.memory_space<vmem>> -> memref<1x32xi32, #tpu.memory_space<vmem>>
      %dma_start3A_217 = tpu.memref_squeeze %dma_start3A_216 : memref<1x32xi32, #tpu.memory_space<vmem>> -> memref<32xi32, #tpu.memory_space<vmem>>
      %dma_start3A_218 = tpu.memref_slice %arg3[%add3A_16] : memref<4096xi32, #tpu.memory_space<hbm>> -> memref<32xi32, #tpu.memory_space<hbm>>
      tpu.enqueue_dma source(%dma_start3A_218 : memref<32xi32, #tpu.memory_space<hbm>>) target(%dma_start3A_217 : memref<32xi32, #tpu.memory_space<vmem>>) target_semaphore(%run_scoped3A_210 : memref<!tpu.dma_semaphore, #tpu.memory_space<semaphore_mem>>)
      %dma_wait3A_219 = arith.constant 0 : i32
      %dma_wait3A_220 = tpu.memref_slice %arg5[%run_scoped3A_17, %dma_wait3A_219] : memref<2x32xi32, #tpu.memory_space<vmem>> -> memref<1x32xi32, #tpu.memory_space<vmem>>
      %dma_wait3A_221 = tpu.memref_squeeze %dma_wait3A_220 : memref<1x32xi32, #tpu.memory_space<vmem>> -> memref<32xi32, #tpu.memory_space<vmem>>
      %dma_wait3A_222 = tpu.memref_slice %arg3[%add3A_16] : memref<4096xi32, #tpu.memory_space<hbm>> -> memref<32xi32, #tpu.memory_space<hbm>>
      %dma_wait3A_223 = arith.constant 0 : i32
      %dma_wait3A_224 = tpu.memref_slice %arg5[%run_scoped3A_17, %dma_wait3A_223] : memref<2x32xi32, #tpu.memory_space<vmem>> -> memref<1x32xi32, #tpu.memory_space<vmem>>
      %dma_wait3A_225 = tpu.memref_squeeze %dma_wait3A_224 : memref<1x32xi32, #tpu.memory_space<vmem>> -> memref<32xi32, #tpu.memory_space<vmem>>
      %dma_wait3A_226 = tpu.memref_slice %arg3[%add3A_16] : memref<4096xi32, #tpu.memory_space<hbm>> -> memref<32xi32, #tpu.memory_space<hbm>>
      tpu.wait_dma2 semaphore(%run_scoped3A_210 : memref<!tpu.dma_semaphore, #tpu.memory_space<semaphore_mem>>) src(%dma_wait3A_226 : memref<32xi32, #tpu.memory_space<hbm>>) dst(%dma_wait3A_225 : memref<32xi32, #tpu.memory_space<vmem>>)
      tpu.yield
    }) : () -> ()
    %dma_start3A_18 = arith.constant 1 : i32
    %dma_start3A_19 = arith.constant 0 : i32
    %dma_start3A_20 = arith.constant 0 : i32
    %dma_start3A_21 = tpu.memref_slice %arg6[%dma_start3A_18, %dma_start3A_19, %dma_start3A_20] : memref<2x32x1024xf32, #tpu.memory_space<vmem>> -> memref<1x32x1024xf32, #tpu.memory_space<vmem>>
    %dma_start3A_22 = tpu.memref_squeeze %dma_start3A_21 : memref<1x32x1024xf32, #tpu.memory_space<vmem>> -> memref<32x1024xf32, #tpu.memory_space<vmem>>
    %dma_start3A_23 = arith.constant 0 : i32
    %dma_start3A_24 = tpu.memref_slice %arg2[%add3A_16, %dma_start3A_23] : memref<4096x1024xf32, #tpu.memory_space<hbm>> -> memref<32x1024xf32, #tpu.memory_space<hbm>>
    %dma_start3A_25 = arith.constant 0 : i32
    %dma_start3A_26 = arith.constant 0 : i32
    %dma_start3A_27 = tpu.memref_slice %arg6[%dma_start3A_18, %dma_start3A_25, %dma_start3A_26] : memref<2x32x1024xf32, #tpu.memory_space<vmem>> -> memref<1x32x1024xf32, #tpu.memory_space<vmem>>
    %dma_start3A_28 = tpu.memref_squeeze %dma_start3A_27 : memref<1x32x1024xf32, #tpu.memory_space<vmem>> -> memref<32x1024xf32, #tpu.memory_space<vmem>>
    %dma_start3A_29 = arith.constant 0 : i32
    %dma_start3A_30 = tpu.memref_slice %arg2[%add3A_16, %dma_start3A_29] : memref<4096x1024xf32, #tpu.memory_space<hbm>> -> memref<32x1024xf32, #tpu.memory_space<hbm>>
    tpu.enqueue_dma source(%dma_start3A_30 : memref<32x1024xf32, #tpu.memory_space<hbm>>) target(%dma_start3A_28 : memref<32x1024xf32, #tpu.memory_space<vmem>>) target_semaphore(%arg8 : memref<!tpu.dma_semaphore, #tpu.memory_space<semaphore_mem>>)
    %dma_wait3A = arith.constant 0 : i32
    %dma_wait3A_31 = arith.constant 0 : i32
    %dma_wait3A_32 = arith.constant 0 : i32
    %dma_wait3A_33 = tpu.memref_slice %arg6[%dma_wait3A, %dma_wait3A_31, %dma_wait3A_32] : memref<2x32x1024xf32, #tpu.memory_space<vmem>> -> memref<1x32x1024xf32, #tpu.memory_space<vmem>>
    %dma_wait3A_34 = tpu.memref_squeeze %dma_wait3A_33 : memref<1x32x1024xf32, #tpu.memory_space<vmem>> -> memref<32x1024xf32, #tpu.memory_space<vmem>>
    %dma_wait3A_35 = arith.constant 0 : i32
    %dma_wait3A_36 = tpu.memref_slice %arg2[%mul3A_2, %dma_wait3A_35] : memref<4096x1024xf32, #tpu.memory_space<hbm>> -> memref<32x1024xf32, #tpu.memory_space<hbm>>
    %dma_wait3A_37 = arith.constant 0 : i32
    %dma_wait3A_38 = arith.constant 0 : i32
    %dma_wait3A_39 = tpu.memref_slice %arg6[%dma_wait3A, %dma_wait3A_37, %dma_wait3A_38] : memref<2x32x1024xf32, #tpu.memory_space<vmem>> -> memref<1x32x1024xf32, #tpu.memory_space<vmem>>
    %dma_wait3A_40 = tpu.memref_squeeze %dma_wait3A_39 : memref<1x32x1024xf32, #tpu.memory_space<vmem>> -> memref<32x1024xf32, #tpu.memory_space<vmem>>
    %dma_wait3A_41 = arith.constant 0 : i32
    %dma_wait3A_42 = tpu.memref_slice %arg2[%mul3A_2, %dma_wait3A_41] : memref<4096x1024xf32, #tpu.memory_space<hbm>> -> memref<32x1024xf32, #tpu.memory_space<hbm>>
    tpu.wait_dma2 semaphore(%arg7 : memref<!tpu.dma_semaphore, #tpu.memory_space<semaphore_mem>>) src(%dma_wait3A_42 : memref<32x1024xf32, #tpu.memory_space<hbm>>) dst(%dma_wait3A_40 : memref<32x1024xf32, #tpu.memory_space<vmem>>)
    %dma_start3A_43 = arith.constant 0 : i32
    %dma_start3A_44 = arith.constant 0 : i32
    %dma_start3A_45 = arith.constant 0 : i32
    %dma_start3A_46 = arith.constant 0 : i32
    %dma_start3A_47 = tpu.memref_slice %arg6[%dma_start3A_43, %dma_start3A_45, %dma_start3A_46] : memref<2x32x1024xf32, #tpu.memory_space<vmem>> -> memref<1x32x1024xf32, #tpu.memory_space<vmem>>
    %dma_start3A_48 = tpu.memref_squeeze %dma_start3A_47 : memref<1x32x1024xf32, #tpu.memory_space<vmem>> -> memref<32x1024xf32, #tpu.memory_space<vmem>>
    %dma_start3A_49 = arith.constant 0 : i32
    %dma_start3A_50 = tpu.memref_slice %arg5[%dma_start3A_44, %dma_start3A_49] : memref<2x32xi32, #tpu.memory_space<vmem>> -> memref<1x32xi32, #tpu.memory_space<vmem>>
    %dma_start3A_51 = tpu.memref_squeeze %dma_start3A_50 : memref<1x32xi32, #tpu.memory_space<vmem>> -> memref<32xi32, #tpu.memory_space<vmem>>
    %dma_start3A_52 = arith.constant 0 : i32
    %dma_start3A_53 = arith.constant 0 : i32
    %dma_start3A_54 = tpu.memref_slice %arg4[%dma_start3A_52, %dma_start3A_53] : memref<8192x1024xf32, #tpu.memory_space<hbm>> -> memref<8192x1024xf32, #tpu.memory_space<hbm>>
    tpu.enqueue_indirect_dma source(%dma_start3A_48 : memref<32x1024xf32, #tpu.memory_space<vmem>>) target(%dma_start3A_54 : memref<8192x1024xf32, #tpu.memory_space<hbm>>) offsets(%dma_start3A_51 : memref<32xi32, #tpu.memory_space<vmem>>) semaphore(%arg9 : memref<!tpu.dma_semaphore, #tpu.memory_space<semaphore_mem>>)
    %dma_wait3A_55 = arith.constant 0 : i32
    %dma_wait3A_56 = arith.constant 0 : i32
    %dma_wait3A_57 = arith.constant 0 : i32
    %dma_wait3A_58 = arith.constant 0 : i32
    %dma_wait3A_59 = tpu.memref_slice %arg6[%dma_wait3A_55, %dma_wait3A_57, %dma_wait3A_58] : memref<2x32x1024xf32, #tpu.memory_space<vmem>> -> memref<1x32x1024xf32, #tpu.memory_space<vmem>>
    %dma_wait3A_60 = tpu.memref_squeeze %dma_wait3A_59 : memref<1x32x1024xf32, #tpu.memory_space<vmem>> -> memref<32x1024xf32, #tpu.memory_space<vmem>>
    %dma_wait3A_61 = arith.constant 0 : i32
    %dma_wait3A_62 = tpu.memref_slice %arg5[%dma_wait3A_56, %dma_wait3A_61] : memref<2x32xi32, #tpu.memory_space<vmem>> -> memref<1x32xi32, #tpu.memory_space<vmem>>
    %dma_wait3A_63 = tpu.memref_squeeze %dma_wait3A_62 : memref<1x32xi32, #tpu.memory_space<vmem>> -> memref<32xi32, #tpu.memory_space<vmem>>
    %dma_wait3A_64 = arith.constant 0 : i32
    %dma_wait3A_65 = arith.constant 0 : i32
    %dma_wait3A_66 = tpu.memref_slice %arg4[%dma_wait3A_64, %dma_wait3A_65] : memref<8192x1024xf32, #tpu.memory_space<hbm>> -> memref<8192x1024xf32, #tpu.memory_space<hbm>>
    tpu.wait_indirect_dma semaphore(%arg9 : memref<!tpu.dma_semaphore, #tpu.memory_space<semaphore_mem>>) src(%dma_wait3A_60 : memref<32x1024xf32, #tpu.memory_space<vmem>>) dst(%dma_wait3A_66 : memref<8192x1024xf32, #tpu.memory_space<hbm>>)
    %add3A_67 = arith.constant 64 : i32
    %add3A_68 = arith.addi %mul3A_2, %add3A_67 : i32
    %run_scoped3A_69 = arith.constant 0 : i32
    "tpu.region"() ({
      %run_scoped3A_210 = tpu.sem_alloc : memref<!tpu.dma_semaphore, #tpu.memory_space<semaphore_mem>>
      %dma_start3A_211 = arith.constant 0 : i32
      %dma_start3A_212 = tpu.memref_slice %arg5[%run_scoped3A_69, %dma_start3A_211] : memref<2x32xi32, #tpu.memory_space<vmem>> -> memref<1x32xi32, #tpu.memory_space<vmem>>
      %dma_start3A_213 = tpu.memref_squeeze %dma_start3A_212 : memref<1x32xi32, #tpu.memory_space<vmem>> -> memref<32xi32, #tpu.memory_space<vmem>>
      %dma_start3A_214 = tpu.memref_slice %arg3[%add3A_68] : memref<4096xi32, #tpu.memory_space<hbm>> -> memref<32xi32, #tpu.memory_space<hbm>>
      %dma_start3A_215 = arith.constant 0 : i32
      %dma_start3A_216 = tpu.memref_slice %arg5[%run_scoped3A_69, %dma_start3A_215] : memref<2x32xi32, #tpu.memory_space<vmem>> -> memref<1x32xi32, #tpu.memory_space<vmem>>
      %dma_start3A_217 = tpu.memref_squeeze %dma_start3A_216 : memref<1x32xi32, #tpu.memory_space<vmem>> -> memref<32xi32, #tpu.memory_space<vmem>>
      %dma_start3A_218 = tpu.memref_slice %arg3[%add3A_68] : memref<4096xi32, #tpu.memory_space<hbm>> -> memref<32xi32, #tpu.memory_space<hbm>>
      tpu.enqueue_dma source(%dma_start3A_218 : memref<32xi32, #tpu.memory_space<hbm>>) target(%dma_start3A_217 : memref<32xi32, #tpu.memory_space<vmem>>) target_semaphore(%run_scoped3A_210 : memref<!tpu.dma_semaphore, #tpu.memory_space<semaphore_mem>>)
      %dma_wait3A_219 = arith.constant 0 : i32
      %dma_wait3A_220 = tpu.memref_slice %arg5[%run_scoped3A_69, %dma_wait3A_219] : memref<2x32xi32, #tpu.memory_space<vmem>> -> memref<1x32xi32, #tpu.memory_space<vmem>>
      %dma_wait3A_221 = tpu.memref_squeeze %dma_wait3A_220 : memref<1x32xi32, #tpu.memory_space<vmem>> -> memref<32xi32, #tpu.memory_space<vmem>>
      %dma_wait3A_222 = tpu.memref_slice %arg3[%add3A_68] : memref<4096xi32, #tpu.memory_space<hbm>> -> memref<32xi32, #tpu.memory_space<hbm>>
      %dma_wait3A_223 = arith.constant 0 : i32
      %dma_wait3A_224 = tpu.memref_slice %arg5[%run_scoped3A_69, %dma_wait3A_223] : memref<2x32xi32, #tpu.memory_space<vmem>> -> memref<1x32xi32, #tpu.memory_space<vmem>>
      %dma_wait3A_225 = tpu.memref_squeeze %dma_wait3A_224 : memref<1x32xi32, #tpu.memory_space<vmem>> -> memref<32xi32, #tpu.memory_space<vmem>>
      %dma_wait3A_226 = tpu.memref_slice %arg3[%add3A_68] : memref<4096xi32, #tpu.memory_space<hbm>> -> memref<32xi32, #tpu.memory_space<hbm>>
      tpu.wait_dma2 semaphore(%run_scoped3A_210 : memref<!tpu.dma_semaphore, #tpu.memory_space<semaphore_mem>>) src(%dma_wait3A_226 : memref<32xi32, #tpu.memory_space<hbm>>) dst(%dma_wait3A_225 : memref<32xi32, #tpu.memory_space<vmem>>)
      tpu.yield
    }) : () -> ()
    %dma_start3A_70 = arith.constant 0 : i32
    %dma_start3A_71 = arith.constant 0 : i32
    %dma_start3A_72 = arith.constant 0 : i32
    %dma_start3A_73 = tpu.memref_slice %arg6[%dma_start3A_70, %dma_start3A_71, %dma_start3A_72] : memref<2x32x1024xf32, #tpu.memory_space<vmem>> -> memref<1x32x1024xf32, #tpu.memory_space<vmem>>
    %dma_start3A_74 = tpu.memref_squeeze %dma_start3A_73 : memref<1x32x1024xf32, #tpu.memory_space<vmem>> -> memref<32x1024xf32, #tpu.memory_space<vmem>>
    %dma_start3A_75 = arith.constant 0 : i32
    %dma_start3A_76 = tpu.memref_slice %arg2[%add3A_68, %dma_start3A_75] : memref<4096x1024xf32, #tpu.memory_space<hbm>> -> memref<32x1024xf32, #tpu.memory_space<hbm>>
    %dma_start3A_77 = arith.constant 0 : i32
    %dma_start3A_78 = arith.constant 0 : i32
    %dma_start3A_79 = tpu.memref_slice %arg6[%dma_start3A_70, %dma_start3A_77, %dma_start3A_78] : memref<2x32x1024xf32, #tpu.memory_space<vmem>> -> memref<1x32x1024xf32, #tpu.memory_space<vmem>>
    %dma_start3A_80 = tpu.memref_squeeze %dma_start3A_79 : memref<1x32x1024xf32, #tpu.memory_space<vmem>> -> memref<32x1024xf32, #tpu.memory_space<vmem>>
    %dma_start3A_81 = arith.constant 0 : i32
    %dma_start3A_82 = tpu.memref_slice %arg2[%add3A_68, %dma_start3A_81] : memref<4096x1024xf32, #tpu.memory_space<hbm>> -> memref<32x1024xf32, #tpu.memory_space<hbm>>
    tpu.enqueue_dma source(%dma_start3A_82 : memref<32x1024xf32, #tpu.memory_space<hbm>>) target(%dma_start3A_80 : memref<32x1024xf32, #tpu.memory_space<vmem>>) target_semaphore(%arg7 : memref<!tpu.dma_semaphore, #tpu.memory_space<semaphore_mem>>)
    %dma_wait3A_83 = arith.constant 1 : i32
    %dma_wait3A_84 = arith.constant 0 : i32
    %dma_wait3A_85 = arith.constant 0 : i32
    %dma_wait3A_86 = tpu.memref_slice %arg6[%dma_wait3A_83, %dma_wait3A_84, %dma_wait3A_85] : memref<2x32x1024xf32, #tpu.memory_space<vmem>> -> memref<1x32x1024xf32, #tpu.memory_space<vmem>>
    %dma_wait3A_87 = tpu.memref_squeeze %dma_wait3A_86 : memref<1x32x1024xf32, #tpu.memory_space<vmem>> -> memref<32x1024xf32, #tpu.memory_space<vmem>>
    %dma_wait3A_88 = arith.constant 0 : i32
    %dma_wait3A_89 = tpu.memref_slice %arg2[%add3A_16, %dma_wait3A_88] : memref<4096x1024xf32, #tpu.memory_space<hbm>> -> memref<32x1024xf32, #tpu.memory_space<hbm>>
    %dma_wait3A_90 = arith.constant 0 : i32
    %dma_wait3A_91 = arith.constant 0 : i32
    %dma_wait3A_92 = tpu.memref_slice %arg6[%dma_wait3A_83, %dma_wait3A_90, %dma_wait3A_91] : memref<2x32x1024xf32, #tpu.memory_space<vmem>> -> memref<1x32x1024xf32, #tpu.memory_space<vmem>>
    %dma_wait3A_93 = tpu.memref_squeeze %dma_wait3A_92 : memref<1x32x1024xf32, #tpu.memory_space<vmem>> -> memref<32x1024xf32, #tpu.memory_space<vmem>>
    %dma_wait3A_94 = arith.constant 0 : i32
    %dma_wait3A_95 = tpu.memref_slice %arg2[%add3A_16, %dma_wait3A_94] : memref<4096x1024xf32, #tpu.memory_space<hbm>> -> memref<32x1024xf32, #tpu.memory_space<hbm>>
    tpu.wait_dma2 semaphore(%arg8 : memref<!tpu.dma_semaphore, #tpu.memory_space<semaphore_mem>>) src(%dma_wait3A_95 : memref<32x1024xf32, #tpu.memory_space<hbm>>) dst(%dma_wait3A_93 : memref<32x1024xf32, #tpu.memory_space<vmem>>)
    %dma_start3A_96 = arith.constant 1 : i32
    %dma_start3A_97 = arith.constant 1 : i32
    %dma_start3A_98 = arith.constant 0 : i32
    %dma_start3A_99 = arith.constant 0 : i32
    %dma_start3A_100 = tpu.memref_slice %arg6[%dma_start3A_96, %dma_start3A_98, %dma_start3A_99] : memref<2x32x1024xf32, #tpu.memory_space<vmem>> -> memref<1x32x1024xf32, #tpu.memory_space<vmem>>
    %dma_start3A_101 = tpu.memref_squeeze %dma_start3A_100 : memref<1x32x1024xf32, #tpu.memory_space<vmem>> -> memref<32x1024xf32, #tpu.memory_space<vmem>>
    %dma_start3A_102 = arith.constant 0 : i32
    %dma_start3A_103 = tpu.memref_slice %arg5[%dma_start3A_97, %dma_start3A_102] : memref<2x32xi32, #tpu.memory_space<vmem>> -> memref<1x32xi32, #tpu.memory_space<vmem>>
    %dma_start3A_104 = tpu.memref_squeeze %dma_start3A_103 : memref<1x32xi32, #tpu.memory_space<vmem>> -> memref<32xi32, #tpu.memory_space<vmem>>
    %dma_start3A_105 = arith.constant 0 : i32
    %dma_start3A_106 = arith.constant 0 : i32
    %dma_start3A_107 = tpu.memref_slice %arg4[%dma_start3A_105, %dma_start3A_106] : memref<8192x1024xf32, #tpu.memory_space<hbm>> -> memref<8192x1024xf32, #tpu.memory_space<hbm>>
    tpu.enqueue_indirect_dma source(%dma_start3A_101 : memref<32x1024xf32, #tpu.memory_space<vmem>>) target(%dma_start3A_107 : memref<8192x1024xf32, #tpu.memory_space<hbm>>) offsets(%dma_start3A_104 : memref<32xi32, #tpu.memory_space<vmem>>) semaphore(%arg10 : memref<!tpu.dma_semaphore, #tpu.memory_space<semaphore_mem>>)
    %dma_wait3A_108 = arith.constant 1 : i32
    %dma_wait3A_109 = arith.constant 1 : i32
    %dma_wait3A_110 = arith.constant 0 : i32
    %dma_wait3A_111 = arith.constant 0 : i32
    %dma_wait3A_112 = tpu.memref_slice %arg6[%dma_wait3A_108, %dma_wait3A_110, %dma_wait3A_111] : memref<2x32x1024xf32, #tpu.memory_space<vmem>> -> memref<1x32x1024xf32, #tpu.memory_space<vmem>>
    %dma_wait3A_113 = tpu.memref_squeeze %dma_wait3A_112 : memref<1x32x1024xf32, #tpu.memory_space<vmem>> -> memref<32x1024xf32, #tpu.memory_space<vmem>>
    %dma_wait3A_114 = arith.constant 0 : i32
    %dma_wait3A_115 = tpu.memref_slice %arg5[%dma_wait3A_109, %dma_wait3A_114] : memref<2x32xi32, #tpu.memory_space<vmem>> -> memref<1x32xi32, #tpu.memory_space<vmem>>
    %dma_wait3A_116 = tpu.memref_squeeze %dma_wait3A_115 : memref<1x32xi32, #tpu.memory_space<vmem>> -> memref<32xi32, #tpu.memory_space<vmem>>
    %dma_wait3A_117 = arith.constant 0 : i32
    %dma_wait3A_118 = arith.constant 0 : i32
    %dma_wait3A_119 = tpu.memref_slice %arg4[%dma_wait3A_117, %dma_wait3A_118] : memref<8192x1024xf32, #tpu.memory_space<hbm>> -> memref<8192x1024xf32, #tpu.memory_space<hbm>>
    tpu.wait_indirect_dma semaphore(%arg10 : memref<!tpu.dma_semaphore, #tpu.memory_space<semaphore_mem>>) src(%dma_wait3A_113 : memref<32x1024xf32, #tpu.memory_space<vmem>>) dst(%dma_wait3A_119 : memref<8192x1024xf32, #tpu.memory_space<hbm>>)
    %add3A_120 = arith.constant 96 : i32
    %add3A_121 = arith.addi %mul3A_2, %add3A_120 : i32
    %run_scoped3A_122 = arith.constant 1 : i32
    "tpu.region"() ({
      %run_scoped3A_210 = tpu.sem_alloc : memref<!tpu.dma_semaphore, #tpu.memory_space<semaphore_mem>>
      %dma_start3A_211 = arith.constant 0 : i32
      %dma_start3A_212 = tpu.memref_slice %arg5[%run_scoped3A_122, %dma_start3A_211] : memref<2x32xi32, #tpu.memory_space<vmem>> -> memref<1x32xi32, #tpu.memory_space<vmem>>
      %dma_start3A_213 = tpu.memref_squeeze %dma_start3A_212 : memref<1x32xi32, #tpu.memory_space<vmem>> -> memref<32xi32, #tpu.memory_space<vmem>>
      %dma_start3A_214 = tpu.memref_slice %arg3[%add3A_121] : memref<4096xi32, #tpu.memory_space<hbm>> -> memref<32xi32, #tpu.memory_space<hbm>>
      %dma_start3A_215 = arith.constant 0 : i32
      %dma_start3A_216 = tpu.memref_slice %arg5[%run_scoped3A_122, %dma_start3A_215] : memref<2x32xi32, #tpu.memory_space<vmem>> -> memref<1x32xi32, #tpu.memory_space<vmem>>
      %dma_start3A_217 = tpu.memref_squeeze %dma_start3A_216 : memref<1x32xi32, #tpu.memory_space<vmem>> -> memref<32xi32, #tpu.memory_space<vmem>>
      %dma_start3A_218 = tpu.memref_slice %arg3[%add3A_121] : memref<4096xi32, #tpu.memory_space<hbm>> -> memref<32xi32, #tpu.memory_space<hbm>>
      tpu.enqueue_dma source(%dma_start3A_218 : memref<32xi32, #tpu.memory_space<hbm>>) target(%dma_start3A_217 : memref<32xi32, #tpu.memory_space<vmem>>) target_semaphore(%run_scoped3A_210 : memref<!tpu.dma_semaphore, #tpu.memory_space<semaphore_mem>>)
      %dma_wait3A_219 = arith.constant 0 : i32
      %dma_wait3A_220 = tpu.memref_slice %arg5[%run_scoped3A_122, %dma_wait3A_219] : memref<2x32xi32, #tpu.memory_space<vmem>> -> memref<1x32xi32, #tpu.memory_space<vmem>>
      %dma_wait3A_221 = tpu.memref_squeeze %dma_wait3A_220 : memref<1x32xi32, #tpu.memory_space<vmem>> -> memref<32xi32, #tpu.memory_space<vmem>>
      %dma_wait3A_222 = tpu.memref_slice %arg3[%add3A_121] : memref<4096xi32, #tpu.memory_space<hbm>> -> memref<32xi32, #tpu.memory_space<hbm>>
      %dma_wait3A_223 = arith.constant 0 : i32
      %dma_wait3A_224 = tpu.memref_slice %arg5[%run_scoped3A_122, %dma_wait3A_223] : memref<2x32xi32, #tpu.memory_space<vmem>> -> memref<1x32xi32, #tpu.memory_space<vmem>>
      %dma_wait3A_225 = tpu.memref_squeeze %dma_wait3A_224 : memref<1x32xi32, #tpu.memory_space<vmem>> -> memref<32xi32, #tpu.memory_space<vmem>>
      %dma_wait3A_226 = tpu.memref_slice %arg3[%add3A_121] : memref<4096xi32, #tpu.memory_space<hbm>> -> memref<32xi32, #tpu.memory_space<hbm>>
      tpu.wait_dma2 semaphore(%run_scoped3A_210 : memref<!tpu.dma_semaphore, #tpu.memory_space<semaphore_mem>>) src(%dma_wait3A_226 : memref<32xi32, #tpu.memory_space<hbm>>) dst(%dma_wait3A_225 : memref<32xi32, #tpu.memory_space<vmem>>)
      tpu.yield
    }) : () -> ()
    %dma_start3A_123 = arith.constant 1 : i32
    %dma_start3A_124 = arith.constant 0 : i32
    %dma_start3A_125 = arith.constant 0 : i32
    %dma_start3A_126 = tpu.memref_slice %arg6[%dma_start3A_123, %dma_start3A_124, %dma_start3A_125] : memref<2x32x1024xf32, #tpu.memory_space<vmem>> -> memref<1x32x1024xf32, #tpu.memory_space<vmem>>
    %dma_start3A_127 = tpu.memref_squeeze %dma_start3A_126 : memref<1x32x1024xf32, #tpu.memory_space<vmem>> -> memref<32x1024xf32, #tpu.memory_space<vmem>>
    %dma_start3A_128 = arith.constant 0 : i32
    %dma_start3A_129 = tpu.memref_slice %arg2[%add3A_121, %dma_start3A_128] : memref<4096x1024xf32, #tpu.memory_space<hbm>> -> memref<32x1024xf32, #tpu.memory_space<hbm>>
    %dma_start3A_130 = arith.constant 0 : i32
    %dma_start3A_131 = arith.constant 0 : i32
    %dma_start3A_132 = tpu.memref_slice %arg6[%dma_start3A_123, %dma_start3A_130, %dma_start3A_131] : memref<2x32x1024xf32, #tpu.memory_space<vmem>> -> memref<1x32x1024xf32, #tpu.memory_space<vmem>>
    %dma_start3A_133 = tpu.memref_squeeze %dma_start3A_132 : memref<1x32x1024xf32, #tpu.memory_space<vmem>> -> memref<32x1024xf32, #tpu.memory_space<vmem>>
    %dma_start3A_134 = arith.constant 0 : i32
    %dma_start3A_135 = tpu.memref_slice %arg2[%add3A_121, %dma_start3A_134] : memref<4096x1024xf32, #tpu.memory_space<hbm>> -> memref<32x1024xf32, #tpu.memory_space<hbm>>
    tpu.enqueue_dma source(%dma_start3A_135 : memref<32x1024xf32, #tpu.memory_space<hbm>>) target(%dma_start3A_133 : memref<32x1024xf32, #tpu.memory_space<vmem>>) target_semaphore(%arg8 : memref<!tpu.dma_semaphore, #tpu.memory_space<semaphore_mem>>)
    %dma_wait3A_136 = arith.constant 0 : i32
    %dma_wait3A_137 = arith.constant 0 : i32
    %dma_wait3A_138 = arith.constant 0 : i32
    %dma_wait3A_139 = tpu.memref_slice %arg6[%dma_wait3A_136, %dma_wait3A_137, %dma_wait3A_138] : memref<2x32x1024xf32, #tpu.memory_space<vmem>> -> memref<1x32x1024xf32, #tpu.memory_space<vmem>>
    %dma_wait3A_140 = tpu.memref_squeeze %dma_wait3A_139 : memref<1x32x1024xf32, #tpu.memory_space<vmem>> -> memref<32x1024xf32, #tpu.memory_space<vmem>>
    %dma_wait3A_141 = arith.constant 0 : i32
    %dma_wait3A_142 = tpu.memref_slice %arg2[%add3A_68, %dma_wait3A_141] : memref<4096x1024xf32, #tpu.memory_space<hbm>> -> memref<32x1024xf32, #tpu.memory_space<hbm>>
    %dma_wait3A_143 = arith.constant 0 : i32
    %dma_wait3A_144 = arith.constant 0 : i32
    %dma_wait3A_145 = tpu.memref_slice %arg6[%dma_wait3A_136, %dma_wait3A_143, %dma_wait3A_144] : memref<2x32x1024xf32, #tpu.memory_space<vmem>> -> memref<1x32x1024xf32, #tpu.memory_space<vmem>>
    %dma_wait3A_146 = tpu.memref_squeeze %dma_wait3A_145 : memref<1x32x1024xf32, #tpu.memory_space<vmem>> -> memref<32x1024xf32, #tpu.memory_space<vmem>>
    %dma_wait3A_147 = arith.constant 0 : i32
    %dma_wait3A_148 = tpu.memref_slice %arg2[%add3A_68, %dma_wait3A_147] : memref<4096x1024xf32, #tpu.memory_space<hbm>> -> memref<32x1024xf32, #tpu.memory_space<hbm>>
    tpu.wait_dma2 semaphore(%arg7 : memref<!tpu.dma_semaphore, #tpu.memory_space<semaphore_mem>>) src(%dma_wait3A_148 : memref<32x1024xf32, #tpu.memory_space<hbm>>) dst(%dma_wait3A_146 : memref<32x1024xf32, #tpu.memory_space<vmem>>)
    %dma_start3A_149 = arith.constant 0 : i32
    %dma_start3A_150 = arith.constant 0 : i32
    %dma_start3A_151 = arith.constant 0 : i32
    %dma_start3A_152 = arith.constant 0 : i32
    %dma_start3A_153 = tpu.memref_slice %arg6[%dma_start3A_149, %dma_start3A_151, %dma_start3A_152] : memref<2x32x1024xf32, #tpu.memory_space<vmem>> -> memref<1x32x1024xf32, #tpu.memory_space<vmem>>
    %dma_start3A_154 = tpu.memref_squeeze %dma_start3A_153 : memref<1x32x1024xf32, #tpu.memory_space<vmem>> -> memref<32x1024xf32, #tpu.memory_space<vmem>>
    %dma_start3A_155 = arith.constant 0 : i32
    %dma_start3A_156 = tpu.memref_slice %arg5[%dma_start3A_150, %dma_start3A_155] : memref<2x32xi32, #tpu.memory_space<vmem>> -> memref<1x32xi32, #tpu.memory_space<vmem>>
    %dma_start3A_157 = tpu.memref_squeeze %dma_start3A_156 : memref<1x32xi32, #tpu.memory_space<vmem>> -> memref<32xi32, #tpu.memory_space<vmem>>
    %dma_start3A_158 = arith.constant 0 : i32
    %dma_start3A_159 = arith.constant 0 : i32
    %dma_start3A_160 = tpu.memref_slice %arg4[%dma_start3A_158, %dma_start3A_159] : memref<8192x1024xf32, #tpu.memory_space<hbm>> -> memref<8192x1024xf32, #tpu.memory_space<hbm>>
    tpu.enqueue_indirect_dma source(%dma_start3A_154 : memref<32x1024xf32, #tpu.memory_space<vmem>>) target(%dma_start3A_160 : memref<8192x1024xf32, #tpu.memory_space<hbm>>) offsets(%dma_start3A_157 : memref<32xi32, #tpu.memory_space<vmem>>) semaphore(%arg9 : memref<!tpu.dma_semaphore, #tpu.memory_space<semaphore_mem>>)
    %dma_wait3A_161 = arith.constant 1 : i32
    %dma_wait3A_162 = arith.constant 0 : i32
    %dma_wait3A_163 = arith.constant 0 : i32
    %dma_wait3A_164 = tpu.memref_slice %arg6[%dma_wait3A_161, %dma_wait3A_162, %dma_wait3A_163] : memref<2x32x1024xf32, #tpu.memory_space<vmem>> -> memref<1x32x1024xf32, #tpu.memory_space<vmem>>
    %dma_wait3A_165 = tpu.memref_squeeze %dma_wait3A_164 : memref<1x32x1024xf32, #tpu.memory_space<vmem>> -> memref<32x1024xf32, #tpu.memory_space<vmem>>
    %dma_wait3A_166 = arith.constant 0 : i32
    %dma_wait3A_167 = tpu.memref_slice %arg2[%add3A_121, %dma_wait3A_166] : memref<4096x1024xf32, #tpu.memory_space<hbm>> -> memref<32x1024xf32, #tpu.memory_space<hbm>>
    %dma_wait3A_168 = arith.constant 0 : i32
    %dma_wait3A_169 = arith.constant 0 : i32
    %dma_wait3A_170 = tpu.memref_slice %arg6[%dma_wait3A_161, %dma_wait3A_168, %dma_wait3A_169] : memref<2x32x1024xf32, #tpu.memory_space<vmem>> -> memref<1x32x1024xf32, #tpu.memory_space<vmem>>
    %dma_wait3A_171 = tpu.memref_squeeze %dma_wait3A_170 : memref<1x32x1024xf32, #tpu.memory_space<vmem>> -> memref<32x1024xf32, #tpu.memory_space<vmem>>
    %dma_wait3A_172 = arith.constant 0 : i32
    %dma_wait3A_173 = tpu.memref_slice %arg2[%add3A_121, %dma_wait3A_172] : memref<4096x1024xf32, #tpu.memory_space<hbm>> -> memref<32x1024xf32, #tpu.memory_space<hbm>>
    tpu.wait_dma2 semaphore(%arg8 : memref<!tpu.dma_semaphore, #tpu.memory_space<semaphore_mem>>) src(%dma_wait3A_173 : memref<32x1024xf32, #tpu.memory_space<hbm>>) dst(%dma_wait3A_171 : memref<32x1024xf32, #tpu.memory_space<vmem>>)
    %dma_start3A_174 = arith.constant 1 : i32
    %dma_start3A_175 = arith.constant 1 : i32
    %dma_start3A_176 = arith.constant 0 : i32
    %dma_start3A_177 = arith.constant 0 : i32
    %dma_start3A_178 = tpu.memref_slice %arg6[%dma_start3A_174, %dma_start3A_176, %dma_start3A_177] : memref<2x32x1024xf32, #tpu.memory_space<vmem>> -> memref<1x32x1024xf32, #tpu.memory_space<vmem>>
    %dma_start3A_179 = tpu.memref_squeeze %dma_start3A_178 : memref<1x32x1024xf32, #tpu.memory_space<vmem>> -> memref<32x1024xf32, #tpu.memory_space<vmem>>
    %dma_start3A_180 = arith.constant 0 : i32
    %dma_start3A_181 = tpu.memref_slice %arg5[%dma_start3A_175, %dma_start3A_180] : memref<2x32xi32, #tpu.memory_space<vmem>> -> memref<1x32xi32, #tpu.memory_space<vmem>>
    %dma_start3A_182 = tpu.memref_squeeze %dma_start3A_181 : memref<1x32xi32, #tpu.memory_space<vmem>> -> memref<32xi32, #tpu.memory_space<vmem>>
    %dma_start3A_183 = arith.constant 0 : i32
    %dma_start3A_184 = arith.constant 0 : i32
    %dma_start3A_185 = tpu.memref_slice %arg4[%dma_start3A_183, %dma_start3A_184] : memref<8192x1024xf32, #tpu.memory_space<hbm>> -> memref<8192x1024xf32, #tpu.memory_space<hbm>>
    tpu.enqueue_indirect_dma source(%dma_start3A_179 : memref<32x1024xf32, #tpu.memory_space<vmem>>) target(%dma_start3A_185 : memref<8192x1024xf32, #tpu.memory_space<hbm>>) offsets(%dma_start3A_182 : memref<32xi32, #tpu.memory_space<vmem>>) semaphore(%arg10 : memref<!tpu.dma_semaphore, #tpu.memory_space<semaphore_mem>>)
    %dma_wait3A_186 = arith.constant 0 : i32
    %dma_wait3A_187 = arith.constant 0 : i32
    %dma_wait3A_188 = arith.constant 0 : i32
    %dma_wait3A_189 = arith.constant 0 : i32
    %dma_wait3A_190 = tpu.memref_slice %arg6[%dma_wait3A_186, %dma_wait3A_188, %dma_wait3A_189] : memref<2x32x1024xf32, #tpu.memory_space<vmem>> -> memref<1x32x1024xf32, #tpu.memory_space<vmem>>
    %dma_wait3A_191 = tpu.memref_squeeze %dma_wait3A_190 : memref<1x32x1024xf32, #tpu.memory_space<vmem>> -> memref<32x1024xf32, #tpu.memory_space<vmem>>
    %dma_wait3A_192 = arith.constant 0 : i32
    %dma_wait3A_193 = tpu.memref_slice %arg5[%dma_wait3A_187, %dma_wait3A_192] : memref<2x32xi32, #tpu.memory_space<vmem>> -> memref<1x32xi32, #tpu.memory_space<vmem>>
    %dma_wait3A_194 = tpu.memref_squeeze %dma_wait3A_193 : memref<1x32xi32, #tpu.memory_space<vmem>> -> memref<32xi32, #tpu.memory_space<vmem>>
    %dma_wait3A_195 = arith.constant 0 : i32
    %dma_wait3A_196 = arith.constant 0 : i32
    %dma_wait3A_197 = tpu.memref_slice %arg4[%dma_wait3A_195, %dma_wait3A_196] : memref<8192x1024xf32, #tpu.memory_space<hbm>> -> memref<8192x1024xf32, #tpu.memory_space<hbm>>
    tpu.wait_indirect_dma semaphore(%arg9 : memref<!tpu.dma_semaphore, #tpu.memory_space<semaphore_mem>>) src(%dma_wait3A_191 : memref<32x1024xf32, #tpu.memory_space<vmem>>) dst(%dma_wait3A_197 : memref<8192x1024xf32, #tpu.memory_space<hbm>>)
    %dma_wait3A_198 = arith.constant 1 : i32
    %dma_wait3A_199 = arith.constant 1 : i32
    %dma_wait3A_200 = arith.constant 0 : i32
    %dma_wait3A_201 = arith.constant 0 : i32
    %dma_wait3A_202 = tpu.memref_slice %arg6[%dma_wait3A_198, %dma_wait3A_200, %dma_wait3A_201] : memref<2x32x1024xf32, #tpu.memory_space<vmem>> -> memref<1x32x1024xf32, #tpu.memory_space<vmem>>
    %dma_wait3A_203 = tpu.memref_squeeze %dma_wait3A_202 : memref<1x32x1024xf32, #tpu.memory_space<vmem>> -> memref<32x1024xf32, #tpu.memory_space<vmem>>
    %dma_wait3A_204 = arith.constant 0 : i32
    %dma_wait3A_205 = tpu.memref_slice %arg5[%dma_wait3A_199, %dma_wait3A_204] : memref<2x32xi32, #tpu.memory_space<vmem>> -> memref<1x32xi32, #tpu.memory_space<vmem>>
    %dma_wait3A_206 = tpu.memref_squeeze %dma_wait3A_205 : memref<1x32xi32, #tpu.memory_space<vmem>> -> memref<32xi32, #tpu.memory_space<vmem>>
    %dma_wait3A_207 = arith.constant 0 : i32
    %dma_wait3A_208 = arith.constant 0 : i32
    %dma_wait3A_209 = tpu.memref_slice %arg4[%dma_wait3A_207, %dma_wait3A_208] : memref<8192x1024xf32, #tpu.memory_space<hbm>> -> memref<8192x1024xf32, #tpu.memory_space<hbm>>
    tpu.wait_indirect_dma semaphore(%arg10 : memref<!tpu.dma_semaphore, #tpu.memory_space<semaphore_mem>>) src(%dma_wait3A_203 : memref<32x1024xf32, #tpu.memory_space<vmem>>) dst(%dma_wait3A_209 : memref<8192x1024xf32, #tpu.memory_space<hbm>>)
    return
  }
}

#map = affine_map<(d0, d1) -> (0, 0)>
#map1 = affine_map<(d0, d1) -> (0)>
module attributes {stable_mosaic.version = 14 : i64} {
  func.func @gather(%arg0: i32, %arg1: i32, %arg2: memref<8192x1024xf32, #tpu.memory_space<hbm>>, %arg3: memref<4096xi32, #tpu.memory_space<hbm>>, %arg4: memref<4096x1024xf32, #tpu.memory_space<hbm>>, %arg5: memref<2x32xi32, #tpu.memory_space<vmem>>, %arg6: memref<2x32x1024xf32, #tpu.memory_space<vmem>>, %arg7: memref<!tpu.dma_semaphore, #tpu.memory_space<semaphore_mem>>, %arg8: memref<!tpu.dma_semaphore, #tpu.memory_space<semaphore_mem>>, %arg9: memref<!tpu.dma_semaphore, #tpu.memory_space<semaphore_mem>>, %arg10: memref<!tpu.dma_semaphore, #tpu.memory_space<semaphore_mem>>) attributes {dimension_semantics = [#tpu.dimension_semantics<core_parallel>, #tpu.dimension_semantics<subcore_parallel>], iteration_bounds = array<i64: 2, 16>, scalar_prefetch = 0 : i64, scratch_operands = 6 : i64, tpu.core_type = #tpu.core_type<sc_vector_subcore>, window_params = [{transform_indices = #map}, {transform_indices = #map1}, {transform_indices = #map}]} {
    %mul3A = arith.constant 2 : i32
    %mul3A_0 = arith.muli %arg1, %mul3A : i32
    %add3A = arith.addi %mul3A_0, %arg0 : i32
    %mul3A_1 = arith.constant 128 : i32
    %mul3A_2 = arith.muli %add3A, %mul3A_1 : i32
    %run_scoped3A = arith.constant 0 : i32
    "tpu.region"() ({
      %run_scoped3A_218 = tpu.sem_alloc : memref<!tpu.dma_semaphore, #tpu.memory_space<semaphore_mem>>
      %dma_start3A_219 = arith.constant 0 : i32
      %dma_start3A_220 = tpu.memref_slice %arg5[%run_scoped3A, %dma_start3A_219] : memref<2x32xi32, #tpu.memory_space<vmem>> -> memref<1x32xi32, #tpu.memory_space<vmem>>
      %dma_start3A_221 = tpu.memref_squeeze %dma_start3A_220 : memref<1x32xi32, #tpu.memory_space<vmem>> -> memref<32xi32, #tpu.memory_space<vmem>>
      %dma_start3A_222 = tpu.memref_slice %arg3[%mul3A_2] : memref<4096xi32, #tpu.memory_space<hbm>> -> memref<32xi32, #tpu.memory_space<hbm>>
      %dma_start3A_223 = arith.constant 0 : i32
      %dma_start3A_224 = tpu.memref_slice %arg5[%run_scoped3A, %dma_start3A_223] : memref<2x32xi32, #tpu.memory_space<vmem>> -> memref<1x32xi32, #tpu.memory_space<vmem>>
      %dma_start3A_225 = tpu.memref_squeeze %dma_start3A_224 : memref<1x32xi32, #tpu.memory_space<vmem>> -> memref<32xi32, #tpu.memory_space<vmem>>
      %dma_start3A_226 = tpu.memref_slice %arg3[%mul3A_2] : memref<4096xi32, #tpu.memory_space<hbm>> -> memref<32xi32, #tpu.memory_space<hbm>>
      tpu.enqueue_dma source(%dma_start3A_226 : memref<32xi32, #tpu.memory_space<hbm>>) target(%dma_start3A_225 : memref<32xi32, #tpu.memory_space<vmem>>) target_semaphore(%run_scoped3A_218 : memref<!tpu.dma_semaphore, #tpu.memory_space<semaphore_mem>>)
      %dma_wait3A_227 = arith.constant 0 : i32
      %dma_wait3A_228 = tpu.memref_slice %arg5[%run_scoped3A, %dma_wait3A_227] : memref<2x32xi32, #tpu.memory_space<vmem>> -> memref<1x32xi32, #tpu.memory_space<vmem>>
      %dma_wait3A_229 = tpu.memref_squeeze %dma_wait3A_228 : memref<1x32xi32, #tpu.memory_space<vmem>> -> memref<32xi32, #tpu.memory_space<vmem>>
      %dma_wait3A_230 = tpu.memref_slice %arg3[%mul3A_2] : memref<4096xi32, #tpu.memory_space<hbm>> -> memref<32xi32, #tpu.memory_space<hbm>>
      %dma_wait3A_231 = arith.constant 0 : i32
      %dma_wait3A_232 = tpu.memref_slice %arg5[%run_scoped3A, %dma_wait3A_231] : memref<2x32xi32, #tpu.memory_space<vmem>> -> memref<1x32xi32, #tpu.memory_space<vmem>>
      %dma_wait3A_233 = tpu.memref_squeeze %dma_wait3A_232 : memref<1x32xi32, #tpu.memory_space<vmem>> -> memref<32xi32, #tpu.memory_space<vmem>>
      %dma_wait3A_234 = tpu.memref_slice %arg3[%mul3A_2] : memref<4096xi32, #tpu.memory_space<hbm>> -> memref<32xi32, #tpu.memory_space<hbm>>
      tpu.wait_dma2 semaphore(%run_scoped3A_218 : memref<!tpu.dma_semaphore, #tpu.memory_space<semaphore_mem>>) src(%dma_wait3A_234 : memref<32xi32, #tpu.memory_space<hbm>>) dst(%dma_wait3A_233 : memref<32xi32, #tpu.memory_space<vmem>>)
      tpu.yield
    }) : () -> ()
    %dma_start3A = arith.constant 0 : i32
    %dma_start3A_3 = arith.constant 0 : i32
    %dma_start3A_4 = arith.constant 0 : i32
    %dma_start3A_5 = arith.constant 0 : i32
    %dma_start3A_6 = tpu.memref_slice %arg6[%dma_start3A_3, %dma_start3A_4, %dma_start3A_5] : memref<2x32x1024xf32, #tpu.memory_space<vmem>> -> memref<1x32x1024xf32, #tpu.memory_space<vmem>>
    %dma_start3A_7 = tpu.memref_squeeze %dma_start3A_6 : memref<1x32x1024xf32, #tpu.memory_space<vmem>> -> memref<32x1024xf32, #tpu.memory_space<vmem>>
    %dma_start3A_8 = arith.constant 0 : i32
    %dma_start3A_9 = tpu.memref_slice %arg5[%dma_start3A, %dma_start3A_8] : memref<2x32xi32, #tpu.memory_space<vmem>> -> memref<1x32xi32, #tpu.memory_space<vmem>>
    %dma_start3A_10 = tpu.memref_squeeze %dma_start3A_9 : memref<1x32xi32, #tpu.memory_space<vmem>> -> memref<32xi32, #tpu.memory_space<vmem>>
    %dma_start3A_11 = arith.constant 0 : i32
    %dma_start3A_12 = arith.constant 0 : i32
    %dma_start3A_13 = tpu.memref_slice %arg2[%dma_start3A_11, %dma_start3A_12] : memref<8192x1024xf32, #tpu.memory_space<hbm>> -> memref<8192x1024xf32, #tpu.memory_space<hbm>>
    tpu.enqueue_indirect_dma source(%dma_start3A_13 : memref<8192x1024xf32, #tpu.memory_space<hbm>>) target(%dma_start3A_7 : memref<32x1024xf32, #tpu.memory_space<vmem>>) offsets(%dma_start3A_10 : memref<32xi32, #tpu.memory_space<vmem>>) semaphore(%arg7 : memref<!tpu.dma_semaphore, #tpu.memory_space<semaphore_mem>>)
    %add3A_14 = arith.constant 32 : i32
    %add3A_15 = arith.addi %mul3A_2, %add3A_14 : i32
    %run_scoped3A_16 = arith.constant 1 : i32
    "tpu.region"() ({
      %run_scoped3A_218 = tpu.sem_alloc : memref<!tpu.dma_semaphore, #tpu.memory_space<semaphore_mem>>
      %dma_start3A_219 = arith.constant 0 : i32
      %dma_start3A_220 = tpu.memref_slice %arg5[%run_scoped3A_16, %dma_start3A_219] : memref<2x32xi32, #tpu.memory_space<vmem>> -> memref<1x32xi32, #tpu.memory_space<vmem>>
      %dma_start3A_221 = tpu.memref_squeeze %dma_start3A_220 : memref<1x32xi32, #tpu.memory_space<vmem>> -> memref<32xi32, #tpu.memory_space<vmem>>
      %dma_start3A_222 = tpu.memref_slice %arg3[%add3A_15] : memref<4096xi32, #tpu.memory_space<hbm>> -> memref<32xi32, #tpu.memory_space<hbm>>
      %dma_start3A_223 = arith.constant 0 : i32
      %dma_start3A_224 = tpu.memref_slice %arg5[%run_scoped3A_16, %dma_start3A_223] : memref<2x32xi32, #tpu.memory_space<vmem>> -> memref<1x32xi32, #tpu.memory_space<vmem>>
      %dma_start3A_225 = tpu.memref_squeeze %dma_start3A_224 : memref<1x32xi32, #tpu.memory_space<vmem>> -> memref<32xi32, #tpu.memory_space<vmem>>
      %dma_start3A_226 = tpu.memref_slice %arg3[%add3A_15] : memref<4096xi32, #tpu.memory_space<hbm>> -> memref<32xi32, #tpu.memory_space<hbm>>
      tpu.enqueue_dma source(%dma_start3A_226 : memref<32xi32, #tpu.memory_space<hbm>>) target(%dma_start3A_225 : memref<32xi32, #tpu.memory_space<vmem>>) target_semaphore(%run_scoped3A_218 : memref<!tpu.dma_semaphore, #tpu.memory_space<semaphore_mem>>)
      %dma_wait3A_227 = arith.constant 0 : i32
      %dma_wait3A_228 = tpu.memref_slice %arg5[%run_scoped3A_16, %dma_wait3A_227] : memref<2x32xi32, #tpu.memory_space<vmem>> -> memref<1x32xi32, #tpu.memory_space<vmem>>
      %dma_wait3A_229 = tpu.memref_squeeze %dma_wait3A_228 : memref<1x32xi32, #tpu.memory_space<vmem>> -> memref<32xi32, #tpu.memory_space<vmem>>
      %dma_wait3A_230 = tpu.memref_slice %arg3[%add3A_15] : memref<4096xi32, #tpu.memory_space<hbm>> -> memref<32xi32, #tpu.memory_space<hbm>>
      %dma_wait3A_231 = arith.constant 0 : i32
      %dma_wait3A_232 = tpu.memref_slice %arg5[%run_scoped3A_16, %dma_wait3A_231] : memref<2x32xi32, #tpu.memory_space<vmem>> -> memref<1x32xi32, #tpu.memory_space<vmem>>
      %dma_wait3A_233 = tpu.memref_squeeze %dma_wait3A_232 : memref<1x32xi32, #tpu.memory_space<vmem>> -> memref<32xi32, #tpu.memory_space<vmem>>
      %dma_wait3A_234 = tpu.memref_slice %arg3[%add3A_15] : memref<4096xi32, #tpu.memory_space<hbm>> -> memref<32xi32, #tpu.memory_space<hbm>>
      tpu.wait_dma2 semaphore(%run_scoped3A_218 : memref<!tpu.dma_semaphore, #tpu.memory_space<semaphore_mem>>) src(%dma_wait3A_234 : memref<32xi32, #tpu.memory_space<hbm>>) dst(%dma_wait3A_233 : memref<32xi32, #tpu.memory_space<vmem>>)
      tpu.yield
    }) : () -> ()
    %dma_start3A_17 = arith.constant 1 : i32
    %dma_start3A_18 = arith.constant 1 : i32
    %dma_start3A_19 = arith.constant 0 : i32
    %dma_start3A_20 = arith.constant 0 : i32
    %dma_start3A_21 = tpu.memref_slice %arg6[%dma_start3A_18, %dma_start3A_19, %dma_start3A_20] : memref<2x32x1024xf32, #tpu.memory_space<vmem>> -> memref<1x32x1024xf32, #tpu.memory_space<vmem>>
    %dma_start3A_22 = tpu.memref_squeeze %dma_start3A_21 : memref<1x32x1024xf32, #tpu.memory_space<vmem>> -> memref<32x1024xf32, #tpu.memory_space<vmem>>
    %dma_start3A_23 = arith.constant 0 : i32
    %dma_start3A_24 = tpu.memref_slice %arg5[%dma_start3A_17, %dma_start3A_23] : memref<2x32xi32, #tpu.memory_space<vmem>> -> memref<1x32xi32, #tpu.memory_space<vmem>>
    %dma_start3A_25 = tpu.memref_squeeze %dma_start3A_24 : memref<1x32xi32, #tpu.memory_space<vmem>> -> memref<32xi32, #tpu.memory_space<vmem>>
    %dma_start3A_26 = arith.constant 0 : i32
    %dma_start3A_27 = arith.constant 0 : i32
    %dma_start3A_28 = tpu.memref_slice %arg2[%dma_start3A_26, %dma_start3A_27] : memref<8192x1024xf32, #tpu.memory_space<hbm>> -> memref<8192x1024xf32, #tpu.memory_space<hbm>>
    tpu.enqueue_indirect_dma source(%dma_start3A_28 : memref<8192x1024xf32, #tpu.memory_space<hbm>>) target(%dma_start3A_22 : memref<32x1024xf32, #tpu.memory_space<vmem>>) offsets(%dma_start3A_25 : memref<32xi32, #tpu.memory_space<vmem>>) semaphore(%arg8 : memref<!tpu.dma_semaphore, #tpu.memory_space<semaphore_mem>>)
    %dma_wait3A = arith.constant 0 : i32
    %dma_wait3A_29 = arith.constant 0 : i32
    %dma_wait3A_30 = arith.constant 0 : i32
    %dma_wait3A_31 = arith.constant 0 : i32
    %dma_wait3A_32 = tpu.memref_slice %arg6[%dma_wait3A_29, %dma_wait3A_30, %dma_wait3A_31] : memref<2x32x1024xf32, #tpu.memory_space<vmem>> -> memref<1x32x1024xf32, #tpu.memory_space<vmem>>
    %dma_wait3A_33 = tpu.memref_squeeze %dma_wait3A_32 : memref<1x32x1024xf32, #tpu.memory_space<vmem>> -> memref<32x1024xf32, #tpu.memory_space<vmem>>
    %dma_wait3A_34 = arith.constant 0 : i32
    %dma_wait3A_35 = tpu.memref_slice %arg5[%dma_wait3A, %dma_wait3A_34] : memref<2x32xi32, #tpu.memory_space<vmem>> -> memref<1x32xi32, #tpu.memory_space<vmem>>
    %dma_wait3A_36 = tpu.memref_squeeze %dma_wait3A_35 : memref<1x32xi32, #tpu.memory_space<vmem>> -> memref<32xi32, #tpu.memory_space<vmem>>
    %dma_wait3A_37 = arith.constant 0 : i32
    %dma_wait3A_38 = arith.constant 0 : i32
    %dma_wait3A_39 = tpu.memref_slice %arg2[%dma_wait3A_37, %dma_wait3A_38] : memref<8192x1024xf32, #tpu.memory_space<hbm>> -> memref<8192x1024xf32, #tpu.memory_space<hbm>>
    tpu.wait_indirect_dma semaphore(%arg7 : memref<!tpu.dma_semaphore, #tpu.memory_space<semaphore_mem>>) src(%dma_wait3A_39 : memref<8192x1024xf32, #tpu.memory_space<hbm>>) dst(%dma_wait3A_33 : memref<32x1024xf32, #tpu.memory_space<vmem>>)
    %add3A_40 = arith.constant 0 : i32
    %add3A_41 = arith.addi %mul3A_2, %add3A_40 : i32
    %dma_start3A_42 = arith.constant 0 : i32
    %dma_start3A_43 = arith.constant 0 : i32
    %dma_start3A_44 = arith.constant 0 : i32
    %dma_start3A_45 = tpu.memref_slice %arg6[%dma_start3A_42, %dma_start3A_43, %dma_start3A_44] : memref<2x32x1024xf32, #tpu.memory_space<vmem>> -> memref<1x32x1024xf32, #tpu.memory_space<vmem>>
    %dma_start3A_46 = tpu.memref_squeeze %dma_start3A_45 : memref<1x32x1024xf32, #tpu.memory_space<vmem>> -> memref<32x1024xf32, #tpu.memory_space<vmem>>
    %dma_start3A_47 = arith.constant 0 : i32
    %dma_start3A_48 = tpu.memref_slice %arg4[%add3A_41, %dma_start3A_47] : memref<4096x1024xf32, #tpu.memory_space<hbm>> -> memref<32x1024xf32, #tpu.memory_space<hbm>>
    %dma_start3A_49 = arith.constant 0 : i32
    %dma_start3A_50 = tpu.memref_slice %arg4[%add3A_41, %dma_start3A_49] : memref<4096x1024xf32, #tpu.memory_space<hbm>> -> memref<32x1024xf32, #tpu.memory_space<hbm>>
    %dma_start3A_51 = arith.constant 0 : i32
    %dma_start3A_52 = arith.constant 0 : i32
    %dma_start3A_53 = tpu.memref_slice %arg6[%dma_start3A_42, %dma_start3A_51, %dma_start3A_52] : memref<2x32x1024xf32, #tpu.memory_space<vmem>> -> memref<1x32x1024xf32, #tpu.memory_space<vmem>>
    %dma_start3A_54 = tpu.memref_squeeze %dma_start3A_53 : memref<1x32x1024xf32, #tpu.memory_space<vmem>> -> memref<32x1024xf32, #tpu.memory_space<vmem>>
    tpu.enqueue_dma source(%dma_start3A_54 : memref<32x1024xf32, #tpu.memory_space<vmem>>) target(%dma_start3A_50 : memref<32x1024xf32, #tpu.memory_space<hbm>>) target_semaphore(%arg9 : memref<!tpu.dma_semaphore, #tpu.memory_space<semaphore_mem>>)
    %dma_wait3A_55 = arith.constant 0 : i32
    %dma_wait3A_56 = arith.constant 0 : i32
    %dma_wait3A_57 = arith.constant 0 : i32
    %dma_wait3A_58 = tpu.memref_slice %arg6[%dma_wait3A_55, %dma_wait3A_56, %dma_wait3A_57] : memref<2x32x1024xf32, #tpu.memory_space<vmem>> -> memref<1x32x1024xf32, #tpu.memory_space<vmem>>
    %dma_wait3A_59 = tpu.memref_squeeze %dma_wait3A_58 : memref<1x32x1024xf32, #tpu.memory_space<vmem>> -> memref<32x1024xf32, #tpu.memory_space<vmem>>
    %dma_wait3A_60 = arith.constant 0 : i32
    %dma_wait3A_61 = tpu.memref_slice %arg4[%add3A_41, %dma_wait3A_60] : memref<4096x1024xf32, #tpu.memory_space<hbm>> -> memref<32x1024xf32, #tpu.memory_space<hbm>>
    %dma_wait3A_62 = arith.constant 0 : i32
    %dma_wait3A_63 = tpu.memref_slice %arg4[%add3A_41, %dma_wait3A_62] : memref<4096x1024xf32, #tpu.memory_space<hbm>> -> memref<32x1024xf32, #tpu.memory_space<hbm>>
    %dma_wait3A_64 = arith.constant 0 : i32
    %dma_wait3A_65 = arith.constant 0 : i32
    %dma_wait3A_66 = tpu.memref_slice %arg6[%dma_wait3A_55, %dma_wait3A_64, %dma_wait3A_65] : memref<2x32x1024xf32, #tpu.memory_space<vmem>> -> memref<1x32x1024xf32, #tpu.memory_space<vmem>>
    %dma_wait3A_67 = tpu.memref_squeeze %dma_wait3A_66 : memref<1x32x1024xf32, #tpu.memory_space<vmem>> -> memref<32x1024xf32, #tpu.memory_space<vmem>>
    tpu.wait_dma2 semaphore(%arg9 : memref<!tpu.dma_semaphore, #tpu.memory_space<semaphore_mem>>) src(%dma_wait3A_67 : memref<32x1024xf32, #tpu.memory_space<vmem>>) dst(%dma_wait3A_63 : memref<32x1024xf32, #tpu.memory_space<hbm>>)
    %add3A_68 = arith.constant 64 : i32
    %add3A_69 = arith.addi %mul3A_2, %add3A_68 : i32
    %run_scoped3A_70 = arith.constant 0 : i32
    "tpu.region"() ({
      %run_scoped3A_218 = tpu.sem_alloc : memref<!tpu.dma_semaphore, #tpu.memory_space<semaphore_mem>>
      %dma_start3A_219 = arith.constant 0 : i32
      %dma_start3A_220 = tpu.memref_slice %arg5[%run_scoped3A_70, %dma_start3A_219] : memref<2x32xi32, #tpu.memory_space<vmem>> -> memref<1x32xi32, #tpu.memory_space<vmem>>
      %dma_start3A_221 = tpu.memref_squeeze %dma_start3A_220 : memref<1x32xi32, #tpu.memory_space<vmem>> -> memref<32xi32, #tpu.memory_space<vmem>>
      %dma_start3A_222 = tpu.memref_slice %arg3[%add3A_69] : memref<4096xi32, #tpu.memory_space<hbm>> -> memref<32xi32, #tpu.memory_space<hbm>>
      %dma_start3A_223 = arith.constant 0 : i32
      %dma_start3A_224 = tpu.memref_slice %arg5[%run_scoped3A_70, %dma_start3A_223] : memref<2x32xi32, #tpu.memory_space<vmem>> -> memref<1x32xi32, #tpu.memory_space<vmem>>
      %dma_start3A_225 = tpu.memref_squeeze %dma_start3A_224 : memref<1x32xi32, #tpu.memory_space<vmem>> -> memref<32xi32, #tpu.memory_space<vmem>>
      %dma_start3A_226 = tpu.memref_slice %arg3[%add3A_69] : memref<4096xi32, #tpu.memory_space<hbm>> -> memref<32xi32, #tpu.memory_space<hbm>>
      tpu.enqueue_dma source(%dma_start3A_226 : memref<32xi32, #tpu.memory_space<hbm>>) target(%dma_start3A_225 : memref<32xi32, #tpu.memory_space<vmem>>) target_semaphore(%run_scoped3A_218 : memref<!tpu.dma_semaphore, #tpu.memory_space<semaphore_mem>>)
      %dma_wait3A_227 = arith.constant 0 : i32
      %dma_wait3A_228 = tpu.memref_slice %arg5[%run_scoped3A_70, %dma_wait3A_227] : memref<2x32xi32, #tpu.memory_space<vmem>> -> memref<1x32xi32, #tpu.memory_space<vmem>>
      %dma_wait3A_229 = tpu.memref_squeeze %dma_wait3A_228 : memref<1x32xi32, #tpu.memory_space<vmem>> -> memref<32xi32, #tpu.memory_space<vmem>>
      %dma_wait3A_230 = tpu.memref_slice %arg3[%add3A_69] : memref<4096xi32, #tpu.memory_space<hbm>> -> memref<32xi32, #tpu.memory_space<hbm>>
      %dma_wait3A_231 = arith.constant 0 : i32
      %dma_wait3A_232 = tpu.memref_slice %arg5[%run_scoped3A_70, %dma_wait3A_231] : memref<2x32xi32, #tpu.memory_space<vmem>> -> memref<1x32xi32, #tpu.memory_space<vmem>>
      %dma_wait3A_233 = tpu.memref_squeeze %dma_wait3A_232 : memref<1x32xi32, #tpu.memory_space<vmem>> -> memref<32xi32, #tpu.memory_space<vmem>>
      %dma_wait3A_234 = tpu.memref_slice %arg3[%add3A_69] : memref<4096xi32, #tpu.memory_space<hbm>> -> memref<32xi32, #tpu.memory_space<hbm>>
      tpu.wait_dma2 semaphore(%run_scoped3A_218 : memref<!tpu.dma_semaphore, #tpu.memory_space<semaphore_mem>>) src(%dma_wait3A_234 : memref<32xi32, #tpu.memory_space<hbm>>) dst(%dma_wait3A_233 : memref<32xi32, #tpu.memory_space<vmem>>)
      tpu.yield
    }) : () -> ()
    %dma_start3A_71 = arith.constant 0 : i32
    %dma_start3A_72 = arith.constant 0 : i32
    %dma_start3A_73 = arith.constant 0 : i32
    %dma_start3A_74 = arith.constant 0 : i32
    %dma_start3A_75 = tpu.memref_slice %arg6[%dma_start3A_72, %dma_start3A_73, %dma_start3A_74] : memref<2x32x1024xf32, #tpu.memory_space<vmem>> -> memref<1x32x1024xf32, #tpu.memory_space<vmem>>
    %dma_start3A_76 = tpu.memref_squeeze %dma_start3A_75 : memref<1x32x1024xf32, #tpu.memory_space<vmem>> -> memref<32x1024xf32, #tpu.memory_space<vmem>>
    %dma_start3A_77 = arith.constant 0 : i32
    %dma_start3A_78 = tpu.memref_slice %arg5[%dma_start3A_71, %dma_start3A_77] : memref<2x32xi32, #tpu.memory_space<vmem>> -> memref<1x32xi32, #tpu.memory_space<vmem>>
    %dma_start3A_79 = tpu.memref_squeeze %dma_start3A_78 : memref<1x32xi32, #tpu.memory_space<vmem>> -> memref<32xi32, #tpu.memory_space<vmem>>
    %dma_start3A_80 = arith.constant 0 : i32
    %dma_start3A_81 = arith.constant 0 : i32
    %dma_start3A_82 = tpu.memref_slice %arg2[%dma_start3A_80, %dma_start3A_81] : memref<8192x1024xf32, #tpu.memory_space<hbm>> -> memref<8192x1024xf32, #tpu.memory_space<hbm>>
    tpu.enqueue_indirect_dma source(%dma_start3A_82 : memref<8192x1024xf32, #tpu.memory_space<hbm>>) target(%dma_start3A_76 : memref<32x1024xf32, #tpu.memory_space<vmem>>) offsets(%dma_start3A_79 : memref<32xi32, #tpu.memory_space<vmem>>) semaphore(%arg7 : memref<!tpu.dma_semaphore, #tpu.memory_space<semaphore_mem>>)
    %dma_wait3A_83 = arith.constant 1 : i32
    %dma_wait3A_84 = arith.constant 1 : i32
    %dma_wait3A_85 = arith.constant 0 : i32
    %dma_wait3A_86 = arith.constant 0 : i32
    %dma_wait3A_87 = tpu.memref_slice %arg6[%dma_wait3A_84, %dma_wait3A_85, %dma_wait3A_86] : memref<2x32x1024xf32, #tpu.memory_space<vmem>> -> memref<1x32x1024xf32, #tpu.memory_space<vmem>>
    %dma_wait3A_88 = tpu.memref_squeeze %dma_wait3A_87 : memref<1x32x1024xf32, #tpu.memory_space<vmem>> -> memref<32x1024xf32, #tpu.memory_space<vmem>>
    %dma_wait3A_89 = arith.constant 0 : i32
    %dma_wait3A_90 = tpu.memref_slice %arg5[%dma_wait3A_83, %dma_wait3A_89] : memref<2x32xi32, #tpu.memory_space<vmem>> -> memref<1x32xi32, #tpu.memory_space<vmem>>
    %dma_wait3A_91 = tpu.memref_squeeze %dma_wait3A_90 : memref<1x32xi32, #tpu.memory_space<vmem>> -> memref<32xi32, #tpu.memory_space<vmem>>
    %dma_wait3A_92 = arith.constant 0 : i32
    %dma_wait3A_93 = arith.constant 0 : i32
    %dma_wait3A_94 = tpu.memref_slice %arg2[%dma_wait3A_92, %dma_wait3A_93] : memref<8192x1024xf32, #tpu.memory_space<hbm>> -> memref<8192x1024xf32, #tpu.memory_space<hbm>>
    tpu.wait_indirect_dma semaphore(%arg8 : memref<!tpu.dma_semaphore, #tpu.memory_space<semaphore_mem>>) src(%dma_wait3A_94 : memref<8192x1024xf32, #tpu.memory_space<hbm>>) dst(%dma_wait3A_88 : memref<32x1024xf32, #tpu.memory_space<vmem>>)
    %add3A_95 = arith.constant 32 : i32
    %add3A_96 = arith.addi %mul3A_2, %add3A_95 : i32
    %dma_start3A_97 = arith.constant 1 : i32
    %dma_start3A_98 = arith.constant 0 : i32
    %dma_start3A_99 = arith.constant 0 : i32
    %dma_start3A_100 = tpu.memref_slice %arg6[%dma_start3A_97, %dma_start3A_98, %dma_start3A_99] : memref<2x32x1024xf32, #tpu.memory_space<vmem>> -> memref<1x32x1024xf32, #tpu.memory_space<vmem>>
    %dma_start3A_101 = tpu.memref_squeeze %dma_start3A_100 : memref<1x32x1024xf32, #tpu.memory_space<vmem>> -> memref<32x1024xf32, #tpu.memory_space<vmem>>
    %dma_start3A_102 = arith.constant 0 : i32
    %dma_start3A_103 = tpu.memref_slice %arg4[%add3A_96, %dma_start3A_102] : memref<4096x1024xf32, #tpu.memory_space<hbm>> -> memref<32x1024xf32, #tpu.memory_space<hbm>>
    %dma_start3A_104 = arith.constant 0 : i32
    %dma_start3A_105 = tpu.memref_slice %arg4[%add3A_96, %dma_start3A_104] : memref<4096x1024xf32, #tpu.memory_space<hbm>> -> memref<32x1024xf32, #tpu.memory_space<hbm>>
    %dma_start3A_106 = arith.constant 0 : i32
    %dma_start3A_107 = arith.constant 0 : i32
    %dma_start3A_108 = tpu.memref_slice %arg6[%dma_start3A_97, %dma_start3A_106, %dma_start3A_107] : memref<2x32x1024xf32, #tpu.memory_space<vmem>> -> memref<1x32x1024xf32, #tpu.memory_space<vmem>>
    %dma_start3A_109 = tpu.memref_squeeze %dma_start3A_108 : memref<1x32x1024xf32, #tpu.memory_space<vmem>> -> memref<32x1024xf32, #tpu.memory_space<vmem>>
    tpu.enqueue_dma source(%dma_start3A_109 : memref<32x1024xf32, #tpu.memory_space<vmem>>) target(%dma_start3A_105 : memref<32x1024xf32, #tpu.memory_space<hbm>>) target_semaphore(%arg10 : memref<!tpu.dma_semaphore, #tpu.memory_space<semaphore_mem>>)
    %dma_wait3A_110 = arith.constant 1 : i32
    %dma_wait3A_111 = arith.constant 0 : i32
    %dma_wait3A_112 = arith.constant 0 : i32
    %dma_wait3A_113 = tpu.memref_slice %arg6[%dma_wait3A_110, %dma_wait3A_111, %dma_wait3A_112] : memref<2x32x1024xf32, #tpu.memory_space<vmem>> -> memref<1x32x1024xf32, #tpu.memory_space<vmem>>
    %dma_wait3A_114 = tpu.memref_squeeze %dma_wait3A_113 : memref<1x32x1024xf32, #tpu.memory_space<vmem>> -> memref<32x1024xf32, #tpu.memory_space<vmem>>
    %dma_wait3A_115 = arith.constant 0 : i32
    %dma_wait3A_116 = tpu.memref_slice %arg4[%add3A_96, %dma_wait3A_115] : memref<4096x1024xf32, #tpu.memory_space<hbm>> -> memref<32x1024xf32, #tpu.memory_space<hbm>>
    %dma_wait3A_117 = arith.constant 0 : i32
    %dma_wait3A_118 = tpu.memref_slice %arg4[%add3A_96, %dma_wait3A_117] : memref<4096x1024xf32, #tpu.memory_space<hbm>> -> memref<32x1024xf32, #tpu.memory_space<hbm>>
    %dma_wait3A_119 = arith.constant 0 : i32
    %dma_wait3A_120 = arith.constant 0 : i32
    %dma_wait3A_121 = tpu.memref_slice %arg6[%dma_wait3A_110, %dma_wait3A_119, %dma_wait3A_120] : memref<2x32x1024xf32, #tpu.memory_space<vmem>> -> memref<1x32x1024xf32, #tpu.memory_space<vmem>>
    %dma_wait3A_122 = tpu.memref_squeeze %dma_wait3A_121 : memref<1x32x1024xf32, #tpu.memory_space<vmem>> -> memref<32x1024xf32, #tpu.memory_space<vmem>>
    tpu.wait_dma2 semaphore(%arg10 : memref<!tpu.dma_semaphore, #tpu.memory_space<semaphore_mem>>) src(%dma_wait3A_122 : memref<32x1024xf32, #tpu.memory_space<vmem>>) dst(%dma_wait3A_118 : memref<32x1024xf32, #tpu.memory_space<hbm>>)
    %add3A_123 = arith.constant 96 : i32
    %add3A_124 = arith.addi %mul3A_2, %add3A_123 : i32
    %run_scoped3A_125 = arith.constant 1 : i32
    "tpu.region"() ({
      %run_scoped3A_218 = tpu.sem_alloc : memref<!tpu.dma_semaphore, #tpu.memory_space<semaphore_mem>>
      %dma_start3A_219 = arith.constant 0 : i32
      %dma_start3A_220 = tpu.memref_slice %arg5[%run_scoped3A_125, %dma_start3A_219] : memref<2x32xi32, #tpu.memory_space<vmem>> -> memref<1x32xi32, #tpu.memory_space<vmem>>
      %dma_start3A_221 = tpu.memref_squeeze %dma_start3A_220 : memref<1x32xi32, #tpu.memory_space<vmem>> -> memref<32xi32, #tpu.memory_space<vmem>>
      %dma_start3A_222 = tpu.memref_slice %arg3[%add3A_124] : memref<4096xi32, #tpu.memory_space<hbm>> -> memref<32xi32, #tpu.memory_space<hbm>>
      %dma_start3A_223 = arith.constant 0 : i32
      %dma_start3A_224 = tpu.memref_slice %arg5[%run_scoped3A_125, %dma_start3A_223] : memref<2x32xi32, #tpu.memory_space<vmem>> -> memref<1x32xi32, #tpu.memory_space<vmem>>
      %dma_start3A_225 = tpu.memref_squeeze %dma_start3A_224 : memref<1x32xi32, #tpu.memory_space<vmem>> -> memref<32xi32, #tpu.memory_space<vmem>>
      %dma_start3A_226 = tpu.memref_slice %arg3[%add3A_124] : memref<4096xi32, #tpu.memory_space<hbm>> -> memref<32xi32, #tpu.memory_space<hbm>>
      tpu.enqueue_dma source(%dma_start3A_226 : memref<32xi32, #tpu.memory_space<hbm>>) target(%dma_start3A_225 : memref<32xi32, #tpu.memory_space<vmem>>) target_semaphore(%run_scoped3A_218 : memref<!tpu.dma_semaphore, #tpu.memory_space<semaphore_mem>>)
      %dma_wait3A_227 = arith.constant 0 : i32
      %dma_wait3A_228 = tpu.memref_slice %arg5[%run_scoped3A_125, %dma_wait3A_227] : memref<2x32xi32, #tpu.memory_space<vmem>> -> memref<1x32xi32, #tpu.memory_space<vmem>>
      %dma_wait3A_229 = tpu.memref_squeeze %dma_wait3A_228 : memref<1x32xi32, #tpu.memory_space<vmem>> -> memref<32xi32, #tpu.memory_space<vmem>>
      %dma_wait3A_230 = tpu.memref_slice %arg3[%add3A_124] : memref<4096xi32, #tpu.memory_space<hbm>> -> memref<32xi32, #tpu.memory_space<hbm>>
      %dma_wait3A_231 = arith.constant 0 : i32
      %dma_wait3A_232 = tpu.memref_slice %arg5[%run_scoped3A_125, %dma_wait3A_231] : memref<2x32xi32, #tpu.memory_space<vmem>> -> memref<1x32xi32, #tpu.memory_space<vmem>>
      %dma_wait3A_233 = tpu.memref_squeeze %dma_wait3A_232 : memref<1x32xi32, #tpu.memory_space<vmem>> -> memref<32xi32, #tpu.memory_space<vmem>>
      %dma_wait3A_234 = tpu.memref_slice %arg3[%add3A_124] : memref<4096xi32, #tpu.memory_space<hbm>> -> memref<32xi32, #tpu.memory_space<hbm>>
      tpu.wait_dma2 semaphore(%run_scoped3A_218 : memref<!tpu.dma_semaphore, #tpu.memory_space<semaphore_mem>>) src(%dma_wait3A_234 : memref<32xi32, #tpu.memory_space<hbm>>) dst(%dma_wait3A_233 : memref<32xi32, #tpu.memory_space<vmem>>)
      tpu.yield
    }) : () -> ()
    %dma_start3A_126 = arith.constant 1 : i32
    %dma_start3A_127 = arith.constant 1 : i32
    %dma_start3A_128 = arith.constant 0 : i32
    %dma_start3A_129 = arith.constant 0 : i32
    %dma_start3A_130 = tpu.memref_slice %arg6[%dma_start3A_127, %dma_start3A_128, %dma_start3A_129] : memref<2x32x1024xf32, #tpu.memory_space<vmem>> -> memref<1x32x1024xf32, #tpu.memory_space<vmem>>
    %dma_start3A_131 = tpu.memref_squeeze %dma_start3A_130 : memref<1x32x1024xf32, #tpu.memory_space<vmem>> -> memref<32x1024xf32, #tpu.memory_space<vmem>>
    %dma_start3A_132 = arith.constant 0 : i32
    %dma_start3A_133 = tpu.memref_slice %arg5[%dma_start3A_126, %dma_start3A_132] : memref<2x32xi32, #tpu.memory_space<vmem>> -> memref<1x32xi32, #tpu.memory_space<vmem>>
    %dma_start3A_134 = tpu.memref_squeeze %dma_start3A_133 : memref<1x32xi32, #tpu.memory_space<vmem>> -> memref<32xi32, #tpu.memory_space<vmem>>
    %dma_start3A_135 = arith.constant 0 : i32
    %dma_start3A_136 = arith.constant 0 : i32
    %dma_start3A_137 = tpu.memref_slice %arg2[%dma_start3A_135, %dma_start3A_136] : memref<8192x1024xf32, #tpu.memory_space<hbm>> -> memref<8192x1024xf32, #tpu.memory_space<hbm>>
    tpu.enqueue_indirect_dma source(%dma_start3A_137 : memref<8192x1024xf32, #tpu.memory_space<hbm>>) target(%dma_start3A_131 : memref<32x1024xf32, #tpu.memory_space<vmem>>) offsets(%dma_start3A_134 : memref<32xi32, #tpu.memory_space<vmem>>) semaphore(%arg8 : memref<!tpu.dma_semaphore, #tpu.memory_space<semaphore_mem>>)
    %dma_wait3A_138 = arith.constant 0 : i32
    %dma_wait3A_139 = arith.constant 0 : i32
    %dma_wait3A_140 = arith.constant 0 : i32
    %dma_wait3A_141 = arith.constant 0 : i32
    %dma_wait3A_142 = tpu.memref_slice %arg6[%dma_wait3A_139, %dma_wait3A_140, %dma_wait3A_141] : memref<2x32x1024xf32, #tpu.memory_space<vmem>> -> memref<1x32x1024xf32, #tpu.memory_space<vmem>>
    %dma_wait3A_143 = tpu.memref_squeeze %dma_wait3A_142 : memref<1x32x1024xf32, #tpu.memory_space<vmem>> -> memref<32x1024xf32, #tpu.memory_space<vmem>>
    %dma_wait3A_144 = arith.constant 0 : i32
    %dma_wait3A_145 = tpu.memref_slice %arg5[%dma_wait3A_138, %dma_wait3A_144] : memref<2x32xi32, #tpu.memory_space<vmem>> -> memref<1x32xi32, #tpu.memory_space<vmem>>
    %dma_wait3A_146 = tpu.memref_squeeze %dma_wait3A_145 : memref<1x32xi32, #tpu.memory_space<vmem>> -> memref<32xi32, #tpu.memory_space<vmem>>
    %dma_wait3A_147 = arith.constant 0 : i32
    %dma_wait3A_148 = arith.constant 0 : i32
    %dma_wait3A_149 = tpu.memref_slice %arg2[%dma_wait3A_147, %dma_wait3A_148] : memref<8192x1024xf32, #tpu.memory_space<hbm>> -> memref<8192x1024xf32, #tpu.memory_space<hbm>>
    tpu.wait_indirect_dma semaphore(%arg7 : memref<!tpu.dma_semaphore, #tpu.memory_space<semaphore_mem>>) src(%dma_wait3A_149 : memref<8192x1024xf32, #tpu.memory_space<hbm>>) dst(%dma_wait3A_143 : memref<32x1024xf32, #tpu.memory_space<vmem>>)
    %add3A_150 = arith.constant 64 : i32
    %add3A_151 = arith.addi %mul3A_2, %add3A_150 : i32
    %dma_start3A_152 = arith.constant 0 : i32
    %dma_start3A_153 = arith.constant 0 : i32
    %dma_start3A_154 = arith.constant 0 : i32
    %dma_start3A_155 = tpu.memref_slice %arg6[%dma_start3A_152, %dma_start3A_153, %dma_start3A_154] : memref<2x32x1024xf32, #tpu.memory_space<vmem>> -> memref<1x32x1024xf32, #tpu.memory_space<vmem>>
    %dma_start3A_156 = tpu.memref_squeeze %dma_start3A_155 : memref<1x32x1024xf32, #tpu.memory_space<vmem>> -> memref<32x1024xf32, #tpu.memory_space<vmem>>
    %dma_start3A_157 = arith.constant 0 : i32
    %dma_start3A_158 = tpu.memref_slice %arg4[%add3A_151, %dma_start3A_157] : memref<4096x1024xf32, #tpu.memory_space<hbm>> -> memref<32x1024xf32, #tpu.memory_space<hbm>>
    %dma_start3A_159 = arith.constant 0 : i32
    %dma_start3A_160 = tpu.memref_slice %arg4[%add3A_151, %dma_start3A_159] : memref<4096x1024xf32, #tpu.memory_space<hbm>> -> memref<32x1024xf32, #tpu.memory_space<hbm>>
    %dma_start3A_161 = arith.constant 0 : i32
    %dma_start3A_162 = arith.constant 0 : i32
    %dma_start3A_163 = tpu.memref_slice %arg6[%dma_start3A_152, %dma_start3A_161, %dma_start3A_162] : memref<2x32x1024xf32, #tpu.memory_space<vmem>> -> memref<1x32x1024xf32, #tpu.memory_space<vmem>>
    %dma_start3A_164 = tpu.memref_squeeze %dma_start3A_163 : memref<1x32x1024xf32, #tpu.memory_space<vmem>> -> memref<32x1024xf32, #tpu.memory_space<vmem>>
    tpu.enqueue_dma source(%dma_start3A_164 : memref<32x1024xf32, #tpu.memory_space<vmem>>) target(%dma_start3A_160 : memref<32x1024xf32, #tpu.memory_space<hbm>>) target_semaphore(%arg9 : memref<!tpu.dma_semaphore, #tpu.memory_space<semaphore_mem>>)
    %dma_wait3A_165 = arith.constant 1 : i32
    %dma_wait3A_166 = arith.constant 1 : i32
    %dma_wait3A_167 = arith.constant 0 : i32
    %dma_wait3A_168 = arith.constant 0 : i32
    %dma_wait3A_169 = tpu.memref_slice %arg6[%dma_wait3A_166, %dma_wait3A_167, %dma_wait3A_168] : memref<2x32x1024xf32, #tpu.memory_space<vmem>> -> memref<1x32x1024xf32, #tpu.memory_space<vmem>>
    %dma_wait3A_170 = tpu.memref_squeeze %dma_wait3A_169 : memref<1x32x1024xf32, #tpu.memory_space<vmem>> -> memref<32x1024xf32, #tpu.memory_space<vmem>>
    %dma_wait3A_171 = arith.constant 0 : i32
    %dma_wait3A_172 = tpu.memref_slice %arg5[%dma_wait3A_165, %dma_wait3A_171] : memref<2x32xi32, #tpu.memory_space<vmem>> -> memref<1x32xi32, #tpu.memory_space<vmem>>
    %dma_wait3A_173 = tpu.memref_squeeze %dma_wait3A_172 : memref<1x32xi32, #tpu.memory_space<vmem>> -> memref<32xi32, #tpu.memory_space<vmem>>
    %dma_wait3A_174 = arith.constant 0 : i32
    %dma_wait3A_175 = arith.constant 0 : i32
    %dma_wait3A_176 = tpu.memref_slice %arg2[%dma_wait3A_174, %dma_wait3A_175] : memref<8192x1024xf32, #tpu.memory_space<hbm>> -> memref<8192x1024xf32, #tpu.memory_space<hbm>>
    tpu.wait_indirect_dma semaphore(%arg8 : memref<!tpu.dma_semaphore, #tpu.memory_space<semaphore_mem>>) src(%dma_wait3A_176 : memref<8192x1024xf32, #tpu.memory_space<hbm>>) dst(%dma_wait3A_170 : memref<32x1024xf32, #tpu.memory_space<vmem>>)
    %add3A_177 = arith.constant 96 : i32
    %add3A_178 = arith.addi %mul3A_2, %add3A_177 : i32
    %dma_start3A_179 = arith.constant 1 : i32
    %dma_start3A_180 = arith.constant 0 : i32
    %dma_start3A_181 = arith.constant 0 : i32
    %dma_start3A_182 = tpu.memref_slice %arg6[%dma_start3A_179, %dma_start3A_180, %dma_start3A_181] : memref<2x32x1024xf32, #tpu.memory_space<vmem>> -> memref<1x32x1024xf32, #tpu.memory_space<vmem>>
    %dma_start3A_183 = tpu.memref_squeeze %dma_start3A_182 : memref<1x32x1024xf32, #tpu.memory_space<vmem>> -> memref<32x1024xf32, #tpu.memory_space<vmem>>
    %dma_start3A_184 = arith.constant 0 : i32
    %dma_start3A_185 = tpu.memref_slice %arg4[%add3A_178, %dma_start3A_184] : memref<4096x1024xf32, #tpu.memory_space<hbm>> -> memref<32x1024xf32, #tpu.memory_space<hbm>>
    %dma_start3A_186 = arith.constant 0 : i32
    %dma_start3A_187 = tpu.memref_slice %arg4[%add3A_178, %dma_start3A_186] : memref<4096x1024xf32, #tpu.memory_space<hbm>> -> memref<32x1024xf32, #tpu.memory_space<hbm>>
    %dma_start3A_188 = arith.constant 0 : i32
    %dma_start3A_189 = arith.constant 0 : i32
    %dma_start3A_190 = tpu.memref_slice %arg6[%dma_start3A_179, %dma_start3A_188, %dma_start3A_189] : memref<2x32x1024xf32, #tpu.memory_space<vmem>> -> memref<1x32x1024xf32, #tpu.memory_space<vmem>>
    %dma_start3A_191 = tpu.memref_squeeze %dma_start3A_190 : memref<1x32x1024xf32, #tpu.memory_space<vmem>> -> memref<32x1024xf32, #tpu.memory_space<vmem>>
    tpu.enqueue_dma source(%dma_start3A_191 : memref<32x1024xf32, #tpu.memory_space<vmem>>) target(%dma_start3A_187 : memref<32x1024xf32, #tpu.memory_space<hbm>>) target_semaphore(%arg10 : memref<!tpu.dma_semaphore, #tpu.memory_space<semaphore_mem>>)
    %dma_wait3A_192 = arith.constant 0 : i32
    %dma_wait3A_193 = arith.constant 0 : i32
    %dma_wait3A_194 = arith.constant 0 : i32
    %dma_wait3A_195 = tpu.memref_slice %arg6[%dma_wait3A_192, %dma_wait3A_193, %dma_wait3A_194] : memref<2x32x1024xf32, #tpu.memory_space<vmem>> -> memref<1x32x1024xf32, #tpu.memory_space<vmem>>
    %dma_wait3A_196 = tpu.memref_squeeze %dma_wait3A_195 : memref<1x32x1024xf32, #tpu.memory_space<vmem>> -> memref<32x1024xf32, #tpu.memory_space<vmem>>
    %dma_wait3A_197 = arith.constant 0 : i32
    %dma_wait3A_198 = tpu.memref_slice %arg4[%add3A_151, %dma_wait3A_197] : memref<4096x1024xf32, #tpu.memory_space<hbm>> -> memref<32x1024xf32, #tpu.memory_space<hbm>>
    %dma_wait3A_199 = arith.constant 0 : i32
    %dma_wait3A_200 = tpu.memref_slice %arg4[%add3A_151, %dma_wait3A_199] : memref<4096x1024xf32, #tpu.memory_space<hbm>> -> memref<32x1024xf32, #tpu.memory_space<hbm>>
    %dma_wait3A_201 = arith.constant 0 : i32
    %dma_wait3A_202 = arith.constant 0 : i32
    %dma_wait3A_203 = tpu.memref_slice %arg6[%dma_wait3A_192, %dma_wait3A_201, %dma_wait3A_202] : memref<2x32x1024xf32, #tpu.memory_space<vmem>> -> memref<1x32x1024xf32, #tpu.memory_space<vmem>>
    %dma_wait3A_204 = tpu.memref_squeeze %dma_wait3A_203 : memref<1x32x1024xf32, #tpu.memory_space<vmem>> -> memref<32x1024xf32, #tpu.memory_space<vmem>>
    tpu.wait_dma2 semaphore(%arg9 : memref<!tpu.dma_semaphore, #tpu.memory_space<semaphore_mem>>) src(%dma_wait3A_204 : memref<32x1024xf32, #tpu.memory_space<vmem>>) dst(%dma_wait3A_200 : memref<32x1024xf32, #tpu.memory_space<hbm>>)
    %dma_wait3A_205 = arith.constant 1 : i32
    %dma_wait3A_206 = arith.constant 0 : i32
    %dma_wait3A_207 = arith.constant 0 : i32
    %dma_wait3A_208 = tpu.memref_slice %arg6[%dma_wait3A_205, %dma_wait3A_206, %dma_wait3A_207] : memref<2x32x1024xf32, #tpu.memory_space<vmem>> -> memref<1x32x1024xf32, #tpu.memory_space<vmem>>
    %dma_wait3A_209 = tpu.memref_squeeze %dma_wait3A_208 : memref<1x32x1024xf32, #tpu.memory_space<vmem>> -> memref<32x1024xf32, #tpu.memory_space<vmem>>
    %dma_wait3A_210 = arith.constant 0 : i32
    %dma_wait3A_211 = tpu.memref_slice %arg4[%add3A_178, %dma_wait3A_210] : memref<4096x1024xf32, #tpu.memory_space<hbm>> -> memref<32x1024xf32, #tpu.memory_space<hbm>>
    %dma_wait3A_212 = arith.constant 0 : i32
    %dma_wait3A_213 = tpu.memref_slice %arg4[%add3A_178, %dma_wait3A_212] : memref<4096x1024xf32, #tpu.memory_space<hbm>> -> memref<32x1024xf32, #tpu.memory_space<hbm>>
    %dma_wait3A_214 = arith.constant 0 : i32
    %dma_wait3A_215 = arith.constant 0 : i32
    %dma_wait3A_216 = tpu.memref_slice %arg6[%dma_wait3A_205, %dma_wait3A_214, %dma_wait3A_215] : memref<2x32x1024xf32, #tpu.memory_space<vmem>> -> memref<1x32x1024xf32, #tpu.memory_space<vmem>>
    %dma_wait3A_217 = tpu.memref_squeeze %dma_wait3A_216 : memref<1x32x1024xf32, #tpu.memory_space<vmem>> -> memref<32x1024xf32, #tpu.memory_space<vmem>>
    tpu.wait_dma2 semaphore(%arg10 : memref<!tpu.dma_semaphore, #tpu.memory_space<semaphore_mem>>) src(%dma_wait3A_217 : memref<32x1024xf32, #tpu.memory_space<vmem>>) dst(%dma_wait3A_213 : memref<32x1024xf32, #tpu.memory_space<hbm>>)
    return
  }
}

module attributes {stable_mosaic.version = 14 : i64} {
  func.func @_mlp_body(%arg0: i32, %arg1: memref<17xi32, #tpu.memory_space<smem>>, %arg2: memref<512x1024xf32, #tpu.memory_space<vmem>>, %arg3: memref<1x1024x1024xf32, #tpu.memory_space<vmem>>, %arg4: memref<1x1x1024xf32, #tpu.memory_space<vmem>>, %arg5: memref<1x1024x1024xf32, #tpu.memory_space<vmem>>, %arg6: memref<1x1x1024xf32, #tpu.memory_space<vmem>>, %arg7: memref<512x1024xf32, #tpu.memory_space<vmem>>) attributes {dimension_semantics = [#tpu.dimension_semantics<arbitrary>], iteration_bounds = array<i64: 16>, scalar_prefetch = 1 : i64, scratch_operands = 0 : i64, tpu.core_type = #tpu.core_type<tc>, window_params = [{transform_indices = @transform_0, window_bounds = array<i64: 512, 1024>}, {transform_indices = @transform_1, window_bounds = array<i64: 1, 1024, 1024>}, {transform_indices = @transform_2, window_bounds = array<i64: 1, 1, 1024>}, {transform_indices = @transform_3, window_bounds = array<i64: 1, 1024, 1024>}, {transform_indices = @transform_4, window_bounds = array<i64: 1, 1, 1024>}, {transform_indices = @transform_5, window_bounds = array<i64: 512, 1024>}]} {
    %get3A = arith.constant 16 : index
    %get3A_0 = memref.load %arg1[%get3A] : memref<17xi32, #tpu.memory_space<smem>>
    %lt3A = arith.cmpi slt, %arg0, %get3A_0 : i32
    %convert_element_type3A = arith.extui %lt3A : i1 to i32
    %cond3A = arith.constant 0 : i32
    %cond3A_1 = arith.cmpi ne, %convert_element_type3A, %cond3A : i32
    scf.if %cond3A_1 {
      %get3A_2 = arith.constant 0 : index
      %get3A_3 = arith.constant 0 : index
      %get3A_4 = vector.load %arg2[%get3A_2, %get3A_3] : memref<512x1024xf32, #tpu.memory_space<vmem>>, vector<512x1024xf32>
      %get3A_5 = arith.constant 0 : index
      %get3A_6 = arith.constant 0 : index
      %get3A_7 = arith.constant 0 : index
      %get3A_8 = vector.load %arg3[%get3A_5, %get3A_6, %get3A_7] : memref<1x1024x1024xf32, #tpu.memory_space<vmem>>, vector<1x1024x1024xf32>
      %get3A_9 = vector.shape_cast %get3A_8 : vector<1x1024x1024xf32> to vector<1024x1024xf32>
      %dot_general3A = arith.constant dense<0.000000e+00> : vector<512x1024xf32>
      %dot_general3A_10 = tpu.matmul %get3A_4, %get3A_9, %dot_general3A {dimension_numbers = #tpu.dot_dimension_numbers<[1], [0], [0], [1], [0, 0, 1, 1], [], []>, transpose_lhs_hint = false} : vector<512x1024xf32>, vector<1024x1024xf32>, vector<512x1024xf32> -> vector<512x1024xf32>
      %get3A_11 = arith.constant 0 : index
      %get3A_12 = arith.constant 0 : index
      %get3A_13 = arith.constant 0 : index
      %get3A_14 = vector.load %arg4[%get3A_11, %get3A_12, %get3A_13] : memref<1x1x1024xf32, #tpu.memory_space<vmem>>, vector<1x1x1024xf32>
      %get3A_15 = vector.shape_cast %get3A_14 : vector<1x1x1024xf32> to vector<1x1024xf32>
      %add3A = vector.broadcast %get3A_15 : vector<1x1024xf32> to vector<512x1024xf32>
      %add3A_16 = arith.addf %dot_general3A_10, %add3A : vector<512x1024xf32>
      %max3A = arith.constant 0.000000e+00 : f32
      %max3A_17 = vector.broadcast %max3A : f32 to vector<512x1024xf32>
      %max3A_18 = arith.maximumf %add3A_16, %max3A_17 : vector<512x1024xf32>
      %get3A_19 = arith.constant 0 : index
      %get3A_20 = arith.constant 0 : index
      %get3A_21 = arith.constant 0 : index
      %get3A_22 = vector.load %arg5[%get3A_19, %get3A_20, %get3A_21] : memref<1x1024x1024xf32, #tpu.memory_space<vmem>>, vector<1x1024x1024xf32>
      %get3A_23 = vector.shape_cast %get3A_22 : vector<1x1024x1024xf32> to vector<1024x1024xf32>
      %dot_general3A_24 = arith.constant dense<0.000000e+00> : vector<512x1024xf32>
      %dot_general3A_25 = tpu.matmul %max3A_18, %get3A_23, %dot_general3A_24 {dimension_numbers = #tpu.dot_dimension_numbers<[1], [0], [0], [1], [0, 0, 1, 1], [], []>, transpose_lhs_hint = false} : vector<512x1024xf32>, vector<1024x1024xf32>, vector<512x1024xf32> -> vector<512x1024xf32>
      %get3A_26 = arith.constant 0 : index
      %get3A_27 = arith.constant 0 : index
      %get3A_28 = arith.constant 0 : index
      %get3A_29 = vector.load %arg6[%get3A_26, %get3A_27, %get3A_28] : memref<1x1x1024xf32, #tpu.memory_space<vmem>>, vector<1x1x1024xf32>
      %get3A_30 = vector.shape_cast %get3A_29 : vector<1x1x1024xf32> to vector<1x1024xf32>
      %add3A_31 = vector.broadcast %get3A_30 : vector<1x1024xf32> to vector<512x1024xf32>
      %add3A_32 = arith.addf %dot_general3A_25, %add3A_31 : vector<512x1024xf32>
      %max3A_33 = arith.constant 0.000000e+00 : f32
      %max3A_34 = vector.broadcast %max3A_33 : f32 to vector<512x1024xf32>
      %max3A_35 = arith.maximumf %add3A_32, %max3A_34 : vector<512x1024xf32>
      %swap3A = arith.constant 0 : index
      %swap3A_36 = arith.constant 0 : index
      %swap3A_37 = vector.load %arg7[%swap3A, %swap3A_36] : memref<512x1024xf32, #tpu.memory_space<vmem>>, vector<512x1024xf32>
      tpu.vector_store %arg7[%swap3A, %swap3A_36], %max3A_35 {strides = array<i32>} : memref<512x1024xf32, #tpu.memory_space<vmem>>, vector<512x1024xf32>,
    } else {
    }
    return
  }
  func.func @transform_0(%arg0: i32, %arg1: memref<17xi32, #tpu.memory_space<smem>>) -> (i32, i32) {
    %get3A = arith.constant 16 : index
    %get3A_0 = memref.load %arg1[%get3A] : memref<17xi32, #tpu.memory_space<smem>>
    %sub3A = arith.constant 1 : i32
    %sub3A_1 = arith.subi %get3A_0, %sub3A : i32
    %min3A = arith.minsi %arg0, %sub3A_1 : i32
    %c0_i32 = arith.constant 0 : i32
    %c0_i32_2 = arith.constant 0 : i32
    return %min3A, %c0_i32 : i32, i32
  }
  func.func @transform_1(%arg0: i32, %arg1: memref<17xi32, #tpu.memory_space<smem>>) -> (i32, i32, i32) {
    %get3A = arith.index_cast %arg0 : i32 to index
    %get3A_0 = memref.load %arg1[%get3A] : memref<17xi32, #tpu.memory_space<smem>>
    %c0_i32 = arith.constant 0 : i32
    %c0_i32_1 = arith.constant 0 : i32
    %c0_i32_2 = arith.constant 0 : i32
    return %get3A_0, %c0_i32, %c0_i32_1 : i32, i32, i32
  }
  func.func @transform_2(%arg0: i32, %arg1: memref<17xi32, #tpu.memory_space<smem>>) -> (i32, i32, i32) {
    %get3A = arith.index_cast %arg0 : i32 to index
    %get3A_0 = memref.load %arg1[%get3A] : memref<17xi32, #tpu.memory_space<smem>>
    %c0_i32 = arith.constant 0 : i32
    %c0_i32_1 = arith.constant 0 : i32
    %c0_i32_2 = arith.constant 0 : i32
    return %get3A_0, %c0_i32, %c0_i32_1 : i32, i32, i32
  }
  func.func @transform_3(%arg0: i32, %arg1: memref<17xi32, #tpu.memory_space<smem>>) -> (i32, i32, i32) {
    %get3A = arith.index_cast %arg0 : i32 to index
    %get3A_0 = memref.load %arg1[%get3A] : memref<17xi32, #tpu.memory_space<smem>>
    %c0_i32 = arith.constant 0 : i32
    %c0_i32_1 = arith.constant 0 : i32
    %c0_i32_2 = arith.constant 0 : i32
    return %get3A_0, %c0_i32, %c0_i32_1 : i32, i32, i32
  }
  func.func @transform_4(%arg0: i32, %arg1: memref<17xi32, #tpu.memory_space<smem>>) -> (i32, i32, i32) {
    %get3A = arith.index_cast %arg0 : i32 to index
    %get3A_0 = memref.load %arg1[%get3A] : memref<17xi32, #tpu.memory_space<smem>>
    %c0_i32 = arith.constant 0 : i32
    %c0_i32_1 = arith.constant 0 : i32
    %c0_i32_2 = arith.constant 0 : i32
    return %get3A_0, %c0_i32, %c0_i32_1 : i32, i32, i32
  }
  func.func @transform_5(%arg0: i32, %arg1: memref<17xi32, #tpu.memory_space<smem>>) -> (i32, i32) {
    %get3A = arith.constant 16 : index
    %get3A_0 = memref.load %arg1[%get3A] : memref<17xi32, #tpu.memory_space<smem>>
    %sub3A = arith.constant 1 : i32
    %sub3A_1 = arith.subi %get3A_0, %sub3A : i32
    %min3A = arith.minsi %arg0, %sub3A_1 : i32
    %c0_i32 = arith.constant 0 : i32
    %c0_i32_2 = arith.constant 0 : i32
    return %min3A, %c0_i32 : i32, i32
  }
}

</mosaic_0001>

<sc_bundles>
// kernel: kernel.5.cloned.1.call-start
scs
__scs_entry_jumppad:
0x0: {  	(pc) =	sbr.rel $0x88, $3  }
0x1: {  	(tag) =	ssettag $0x0;
	lr =	simm.s32 $0x1  }
0x2: {  	[smem:$0x3F9B] =	sst lr;
	_ =	strace $0xD0000000  }
0x3: {  	_ = 	snop  }
0x4: {  	_ = 	snop  }
0x5: {  	_ = 	snop  }
0x6: {  	_ = 	snop  }
0x7: {  	_ = 	snop  }
__scs_overlays_trampoline_lowered:
0x8: {  	[smem:$0x3FAA] =	sst s0  }
0x9: {  	[smem:$0x3FAB] =	sst s1  }
0xa: {  	[smem:$0x3FAC] =	sst s2  }
0xb: {  	[smem:$0x3FAD] =	sst s3  }
0xc: {  	[smem:$0x3FAE] =	sst s4  }
0xd: {  	[smem:$0x3FAF] =	sst s5  }
0xe: {  	[smem:$0x3FB0] =	sst s6  }
0xf: {  	[smem:$0x3FB1] =	sst s7  }
0x10: {  	[smem:$0x3FB2] =	sst s8  }
0x11: {  	[smem:$0x3FB3] =	sst s9;
	s0 =	simm.s32 @!p0 $0x0  }
0x12: {  	s1 =	sld [smem:$0x3F99];
	s0 =	simm.s32 @p0 $0x1  }
0x13: {  	[smem:$0x3FB4] =	sst s0;
	s0 =	simm.s32 @!p1 $0x0  }
0x14: {  	s2 =	sld [smem:$0x3F98];
	s0 =	simm.s32 @p1 $0x1  }
0x15: {  	[smem:$0x3FB5] =	sst s0;
	s0 =	simm.s32 @!p2 $0x0  }
0x16: {  	s3 =	sld [smem:$0x3FDB];
	s0 =	simm.s32 @p2 $0x1  }
0x17: {  	s4 =	simm.s32 $0x1BF5;
	[smem:$0x3FB7] =	sst s0  }
0x18: {  	s0 =	sld [smem:$0x3F9A];
	_ =	swait.ge [sflag:s4], $0x0  }
0x19: {  	s7 =	sld [smem:$0x3F9B]  }
0x1a: {  	s8 =	sadd.s32 $0xFFFFE003, lr  }
0x1b: {  	s9 =	sadd.s32 $0xFFFFFEF7, lr;
	s5 =	simm.s32 $0xFFFFFFFF;
	p2 =	slt.u32 s8, $0xFFFFF086  }
0x1c: {  	p1 =	slt.u32 s9, $0xF7A;
	s5 =	simm.s32 @!p2 $0x0  }
0x1d: {  	s5 =	simm.s32 @p1 $0x1;
	p0 =	seq.s32 s7, s2  }
0x1e: {  	s7 =	smul.u32 @!p0 $0xF7A, s2;
	p2 =	seq.s32 @!p0 s5, $0x0  }
0x1f: {  	s9 =	smul.u32 $0xF7A, s1;
	s8 =	simm.s32 @!p0 $0x1BF5;
	p2 =	por !p2, p0  }
0x20: {  	[sflag:s8] =	ssyncset.s32 @!p0 $0xFFFFF086;
	s6 =	sadd.s32 @!p0 s3, s7;
	s7 =	simm.s32 @!p0 $0x108  }
0x21: {  	s3 =	sadd.s32 s3, s9;
	s6 =	sadd.s32 @!p0 $0x88, s6;
	s7 =	simm.s32 @p2 $0x1082  }
0x22: {  	[simem:s7], [sflag:s8] =	dma.local @!p0 [hbm:s6], $0xF7A  }
0x23: {  	s9 =	sor.u32 $0xD0000000, s2;
	s6 =	simm.s32 $0x108;
	_ =	swait.ge @!p0 [sflag:s8], $0x0  }
0x24: {  	s3 =	sadd.s32 $0x88, s3;
	s6 =	simm.s32 @!p1 $0x1082;
	[sflag:s4] =	ssyncset.s32 $0xFFFFF086  }
0x25: {  	[simem:s6], [sflag:s4] =	dma.local [hbm:s3], $0xF7A  }
0x26: {  	[smem:$0x3F9B] =	sst s1;
	(tag) =	ssettag s2;
	_ =	strace s9  }
0x27: {  	s1 =	sld [smem:$0x3FAB]  }
0x28: {  	s2 =	sld [smem:$0x3FAC]  }
0x29: {  	s4 =	sld [smem:$0x3FAE]  }
0x2a: {  	p0 =	seq.s32 s5, $0x0;
	s5 =	sld [smem:$0x3FAF]  }
0x2b: {  	s6 =	sld [smem:$0x3FB0]  }
0x2c: {  	s7 =	sld [smem:$0x3FB1]  }
0x2d: {  	s3 =	simm.s32 $0x108;
	s8 =	sld [smem:$0x3FB2]  }
0x2e: {  	s3 =	simm.s32 @!p0 $0x1082;
	s9 =	sld [smem:$0x3FB3]  }
0x2f: {  	lr =	sadd.s32 s0, s3;
	s0 =	sld [smem:$0x3FAA]  }
0x30: {  	s3 =	sld [smem:$0x3FAD]  }
0x31: {  	[smem:$0x3FB6] =	sst s10  }
0x32: {  	s10 =	sld [smem:$0x3FB4];
	_ =	sdelay $0x3  }
0x33: {  	p0 =	seq.s32 s10, $0x1;
	s10 =	sld [smem:$0x3FB6];
	_ =	sdelay $0x3  }
0x34: {  	[smem:$0x3FB6] =	sst s10  }
0x35: {  	s10 =	sld [smem:$0x3FB5];
	_ =	sdelay $0x3  }
0x36: {  	p1 =	seq.s32 s10, $0x1;
	s10 =	sld [smem:$0x3FB6];
	_ =	sdelay $0x3  }
0x37: {  	[smem:$0x3FB6] =	sst s10  }
0x38: {  	s10 =	sld [smem:$0x3FB7]  }
0x39: {  	_ = 	snop;
	(pc) =	sbr.ind lr, $3  }
0x3a: {  	_ = 	snop  }
0x3b: {  	_ = 	snop  }
0x3c: {  	p2 =	seq.s32 s10, $0x1;
	s10 =	sld [smem:$0x3FB6]  }
0x3d: {  	_ =	shalt  }
0x3e: {  	_ =	shalt  }
0x3f: {  	_ =	shalt  }
0x40: {  	_ =	shalt  }
0x41: {  	_ =	shalt  }
0x42: {  	_ =	shalt  }
0x43: {  	_ =	shalt  }
0x44: {  	_ =	shalt  }
0x45: {  	_ =	shalt  }
0x46: {  	_ =	shalt  }
0x47: {  	_ =	shalt  }
0x48: {  	_ =	shalt  }
0x49: {  	_ =	shalt  }
0x4a: {  	_ =	shalt  }
0x4b: {  	_ =	shalt  }
0x4c: {  	_ =	shalt  }
0x4d: {  	_ =	shalt  }
0x4e: {  	_ =	shalt  }
0x4f: {  	_ =	shalt  }
0x50: {  	_ =	shalt  }
0x51: {  	_ =	shalt  }
0x52: {  	_ =	shalt  }
0x53: {  	_ =	shalt  }
0x54: {  	_ =	shalt  }
0x55: {  	_ =	shalt  }
0x56: {  	_ =	shalt  }
0x57: {  	_ =	shalt  }
0x58: {  	_ =	shalt  }
0x59: {  	_ =	shalt  }
0x5a: {  	_ =	shalt  }
0x5b: {  	_ =	shalt  }
0x5c: {  	_ =	shalt  }
0x5d: {  	_ =	shalt  }
0x5e: {  	_ =	shalt  }
0x5f: {  	_ =	shalt  }
0x60: {  	_ =	shalt  }
0x61: {  	_ =	shalt  }
0x62: {  	_ =	shalt  }
0x63: {  	_ =	shalt  }
0x64: {  	_ =	shalt  }
0x65: {  	_ =	shalt  }
0x66: {  	_ =	shalt  }
0x67: {  	_ =	shalt  }
0x68: {  	_ =	shalt  }
0x69: {  	_ =	shalt  }
0x6a: {  	_ =	shalt  }
0x6b: {  	_ =	shalt  }
0x6c: {  	_ =	shalt  }
0x6d: {  	_ =	shalt  }
0x6e: {  	_ =	shalt  }
0x6f: {  	_ =	shalt  }
0x70: {  	_ =	shalt  }
0x71: {  	_ =	shalt  }
0x72: {  	_ =	shalt  }
0x73: {  	_ =	shalt  }
0x74: {  	_ =	shalt  }
0x75: {  	_ =	shalt  }
0x76: {  	_ =	shalt  }
0x77: {  	_ =	shalt  }
0x78: {  	_ =	shalt  }
0x79: {  	_ =	shalt  }
0x7a: {  	_ =	shalt  }
0x7b: {  	_ =	shalt  }
0x7c: {  	_ =	shalt  }
0x7d: {  	_ =	shalt  }
0x7e: {  	_ =	shalt  }
0x7f: {  	_ =	shalt  }
0x80: {  	_ =	shalt  }
0x81: {  	_ =	shalt  }
0x82: {  	_ =	shalt  }
0x83: {  	_ =	shalt  }
0x84: {  	_ =	shalt  }
0x85: {  	_ =	shalt  }
0x86: {  	_ =	shalt  }
0x87: {  	_ =	shalt  }
.Lfunc_end0:
.L_simem_size_0:
called_computation_lowered:
.L_overlay_start_0:
0x88: {  	s2 =	sld [smem:$0x3FD9]  }
0x89: {  	s3 =	sld [smem:$0x3FFE];
	_ =	sdelay $0x1  }
0x8a: {  	s1 =	srdreg.scid  }
0x8b: {  	s0 =	sand.u32 $0x1, s1  }
0x8c: {  	s17 =	sshll.u32 s0, $0xA;
	s2 =	sadd.s32 s3, s2  }
0x8d: {  	s2 =	sadd.s32 s2, s17  }
0x8e: {  	[smem:$0x3FC2] =	sst s2  }
0x8f: {  	_ = 	snop  }
0x90: {  	s2 =	sld [smem:$0x3FC9];
	(tm) =	ssettm $0x1  }
0x91: {  	s18 =	sld [smem:$0x3FFB];
	_ =	sdelay $0x3  }
0x92: {  	_ =	strace s18  }
0x93: {  	s3 =	sld [smem:$0x3FFC];
	_ =	sdelay $0x3  }
0x94: {  	_ =	strace s3  }
0x95: {  	s3 =	sld [smem:$0x3FFD];
	_ =	sdelay $0x3  }
0x96: {  	_ =	strace s3  }
0x97: {  	_ =	strace $0x8FFFFFFF  }
0x98: {  	s19 =	sld [smem:$0x3FDB];
	_ =	sdelay $0x1  }
0x99: {  	s4 =	simm.s32 $_scs_section_size  }
0x9a: {  	s5 =	simm.s32 $_size__tile_overlayer_lowered;
	s6 =	simm.s32 $_tile_overlayer_lowered  }
0x9b: {  	s22 =	simm.s32 $0x1BFF;
	s21 =	sshll.u32 s6, $0x1;
	s3 =	sadd.s32 s4, s19  }
0x9c: {  	s7 =	simm.s32 $0x0;
	s20 =	sshll.u32 s5, $0x1;
	s5 =	sadd.s32 s21, s3  }
0x9d: {  	[timem:s7], [sflag:s22] =	dma.local [hbm:s5], s20  }
0x9e: {  	_ =	swait.ge [sflag:s22], s20  }
0x9f: {  	s4 =	ssub.s32 $0x0, s20;
	[sflag:s22] =	ssyncset.done $0x0  }
0xa0: {  	[sflag:s22] =	ssyncadd.s32 s4;
	_ =	sdelay $0x1  }
0xa1: {  	s23 =	simm.s32 $0x1B8B  }
0xa2: {  	_ =	swait.ge [sflag:s23], $0x1  }
0xa3: {  	[sflag:s23] =	ssyncset.done $0x0  }
0xa4: {  	s25 =	simm.s32 $0x1B8E;
	s24 =	sld [smem:$0x3FFE];
	[sflag:s23] =	ssyncadd.s32 $0xFFFFFFFF  }
0xa5: {  	s26 =	simm.s32 $execute0_lowered;
	[smem:$0x3FD2] =	sst s25  }
0xa6: {  	s5 =	sshll.u32 s26, $0x1;
	_ =	strace $0x80000046;
	[dreg:$0x1] =	wrdreg $0xFFFFFFFF  }
0xa7: {  	s28 =	simm.s32 $_size_execute0_lowered;
	s3 =	sadd.s32 s3, s5;
	[dreg:$0x0] =	wrdreg $0x0  }
0xa8: {  	s5 =	sshll.u32 s28, $0x1;
	[dreg:$0x2] =	wrdreg s3  }
0xa9: {  	[dreg:$0x3] =	wrdreg s5  }
0xaa: {  	[dreg:$0x4] =	wrdreg $0xC0  }
0xab: {  	_ =	task [dreg:s7], $0x5FFFF  }
0xac: {  	[dreg:$0x1] =	wrdreg $0xFFFFFFFF  }
0xad: {  	[dreg:$0x0] =	wrdreg $0x60  }
0xae: {  	[dreg:$0x2] =	wrdreg s2  }
0xaf: {  	[dreg:$0x3] =	wrdreg s24  }
0xb0: {  	[dreg:$0x4] =	wrdreg $0x9  }
0xb1: {  	_ =	task.clear_ibuf [dreg:s7], $0x5FFFF;
	_ =	strace $0x90000046  }
0xb2: {  	s29 =	simm.s32 $0x9;
	_ =	strace $0x80000048  }
0xb3: {  	_ =	swait.ge [sflag:s29], $0x1  }
0xb4: {  	[sflag:s29] =	ssyncadd.s32 $0xFFFFFFFF  }
0xb5: {  	_ =	strace $0x90000048  }
0xb6: {  	_ =	sfence  }
0xb7: {  	s30 =	sld [smem:$0x0];
	_ =	sdelay $0x2  }
0xb8: {  	s31 =	sshll.u32 s1, $0xD;
	s1 =	sshrl.u32 s1, $0x2  }
0xb9: {  	s3 =	sand.u32 $0x4000, s31;
	s1 =	sadd.s32 s1, s30  }
0xba: {  	s0 =	sor.u32 s3, s0;
	s1 =	sshll.u32 s1, $0x11  }
0xbb: {  	s0 =	sor.u32 s1, s0  }
0xbc: {  	s0 =	sadd.s32 $0x8F2B, s0  }
0xbd: {  	[sflag:s0] =	ssyncadd.remote.s32 $0x1  }
0xbe: {  	_ =	sfence.sel $0xFFFF  }
0xbf: {  	[dreg:$0x0] =	wrdreg $0xFFFFFFFF;
	(pc) =	sbr.abs _section_cstart, $3  }
0xc0: {  	[dreg:$0x1] =	wrdreg $0xFFFFFFFF  }
0xc1: {  	_ =	task.clear_ibuf [dreg:s7], $0x2FFFF;
	_ =	strace $0x9FFFFFFF  }
0xc2: {  	(tm) =	ssettm $0x7FFFFFFF  }
0xc3: {  	_ =	shalt  }
tec
execute0_lowered:
.L_overlay_start_1:
0x0: {  	(tag) =	ssettag $0x1  }
0x1: {  	s0 =	rddreg [dreg:$0x0]  }
0x2: {  	s1 =	rddreg [dreg:$0x1]  }
0x3: {  	s2 =	simm.s32 $0x0;
	s3 =	srdreg.scid;
	s4 =	stileid.u32  }
0x4: {  	s28 =	simm.s32 $0x80;
	s12 =	simm.s32 $0x8100;
	s29 =	simm.s32 $0x1  }
0x5: {  	s31 =	simm.s32 $0x1100;
	s30 =	simm.s32 $0x3;
	s13 =	simm.s32 $0xA900  }
0x6: {  	[smem:$0x7FF] =	sst s2;
	s3 =	sand.u32 $0x1, s3;
	s4 =	sshll.u32 s4, $0x8  }
0x7: {  	s6 =	sadd.s32 $0xA00, s1;
	_ =	strace $0x80000047;
	s5 =	sshll.u32 s3, $0x7  }
0x8: {  	s7 =	ssub.s32 $0x2, s3;
	s3 =	sadd.s32 $0xC00, s1;
	s4 =	sor.u32 s5, s4  }
0x9: {  	s14 =	sshrl.u32 s7, $0x1;
	s8 =	sshrl.u32 s4, $0x3;
	s9 =	sshll.u32 s4, $0x7  }
0xa: {  	s10 =	sor.u32 $0x20, s4;
	s20 =	sor.u32 $0x40, s4;
	s7 =	ssub.s32 s7, s14  }
0xb: {  	s4 =	sor.u32 $0x60, s4;
	s14 =	simm.s32 $0xB100;
	s8 =	sadd.s32 s6, s8  }
0xc: {  	s15 =	sadd.s32 s0, s9;
	s16 =	sshrl.u32 s10, $0x3;
	s18 =	sshll.u32 s10, $0x7  }
0xd: {  	s21 =	sshrl.u32 s20, $0x3;
	s22 =	sshll.u32 s20, $0x7;
	s24 =	sshrl.u32 s4, $0x3  }
0xe: {  	s26 =	sshll.u32 s4, $0x7;
	s4 =	sadd.s32 $0xD00, s1;
	s7 =	smax.u32 s7, $0x1  }
0xf: {  	s9 =	simm.s32 $0x9100;
	s10 =	simm.s32 $0xA100;
	[dreg:$0x3] =	wrdreg s8  }
0x10: {  	s20 =	simm.s32 $0xE100;
	[dreg:$0x4] =	wrdreg s15;
	s17 =	sadd.s32 s6, s16  }
0x11: {  	s19 =	sadd.s32 s0, s18;
	s5 =	sadd.s32 s6, s21;
	s23 =	sadd.s32 s0, s22  }
0x12: {  	s25 =	sadd.s32 s6, s24;
	s0 =	sadd.s32 s0, s26;
	[dreg:$0x5] =	wrdreg s17  }
0x13: {  	s6 =	sadd.s32 $0xF00, s1;
	s8 =	simm.s32 $0x5;
	[dreg:$0x6] =	wrdreg s19  }
0x14: {  	s24 =	simm.s32 $0x4;
	s15 =	simm.s32 $0xB900;
	[dreg:$0x7] =	wrdreg s5  }
0x15: {  	s16 =	simm.s32 $0xC100;
	s18 =	simm.s32 $0xD100;
	[dreg:$0x8] =	wrdreg s23  }
0x16: {  	v2 =	vlaneseq.u32;
	s21 =	simm.s32 $0xE900;
	s22 =	simm.s32 $0xF100;
	[dreg:$0x9] =	wrdreg s25  }
0x17: {  	vm0 =	vmmov $0xffff;
	v1 =	vshrl.u32 v2, $0x3;
	s5 =	sadd.s32 $0xE00, s1;
	[dreg:$0xa] =	wrdreg s0;
	s23 =	simm.s32 $0x8900  }
0x18: {  	v0 =	vand.u32 $0x7, v2;
	v2 =	vor.u32 $0x8, v2;
	v1 =	vmul.u32 $0x8, v1;
	s1 =	simm.s32 $0x9900;
	s17 =	simm.s32 $0xC900;
	s19 =	simm.s32 $0xD900  }
.LBB2_1:
0x19: {  	s25 =	rddreg [dreg:$0x3]  }
0x1a: {  	[tilespmem:s2], [sflag:$0x5] =	stream.linear.gather [hbm4b:s25+s2], $0x20, $0x38;
	[tilespmem:$0x10100] =	vst v63  }
0x1b: {  	_ =	swait.ge [sflag:s8], $0x20  }
0x1c: {  	[sflag:s8] =	ssyncset.done $0x0  }
0x1d: {  	s11 =	simm.s32 $0x100;
	s0 =	rddreg [dreg:$0x4];
	[sflag:s8] =	ssyncadd.s32 $0xFFFFFFE0  }
0x1e: {  	[tilespmem:s11], [sflag:$0x1] =	stream.linear.gather [hbm4b:s0+s2], $0x8000, $0x38;
	[tilespmem:$0x10100] =	vst v63  }
0x1f: {  	s26 =	rddreg [dreg:$0x5]  }
0x20: {  	[tilespmem:s28], [sflag:$0x5] =	stream.linear.gather [hbm4b:s26+s2], $0x20, $0x38;
	[tilespmem:$0x10100] =	vst v63  }
0x21: {  	_ =	swait.ge [sflag:s8], $0x20  }
0x22: {  	[sflag:s8] =	ssyncset.done $0x0  }
0x23: {  	s0 =	rddreg [dreg:$0x6];
	[sflag:s8] =	ssyncadd.s32 $0xFFFFFFE0  }
0x24: {  	[tilespmem:s12], [sflag:$0x2] =	stream.linear.gather [hbm4b:s0+s2], $0x8000, $0x38;
	[tilespmem:$0x10100] =	vst v63  }
0x25: {  	_ =	swait.ge [sflag:s29], $0x8000  }
0x26: {  	[sflag:s29] =	ssyncset.done $0x0  }
0x27: {  	[sflag:s29] =	ssyncadd.s32 $0xFFFF8000  }
0x28: {  	v3 =	vld [tilespmem:$0x0];
	_ =	sdelay $0x4  }
0x29: {  	v4 =	vshll.u32 v3, $0x3  }
0x2a: {  	v3 =	vand.u32 $0x7, v3;
	v4 =	vand.u32 $0xFFFFFFC0, v4  }
0x2b: {  	v3 =	vor.u32 v3, v4  }
0x2c: {  	v4 =	vperm.xlane v3, v0;
	_ =	sdelay $0x1  }
0x2d: {  	v4 =	vadd.s32 v1, v4;
	_ =	sdelay $0x4  }
0x2e: {  	[hbm4b:s3+s2] =	stream.indirect_vreg.scatter [tilespmem:s11], [sflag:$0x3], $0x80, v4, vm0, $0xb8;
	[tilespmem:$0x10100] =	vst v63  }
0x2f: {  	s0 =	simm.s32 $0x900;
	v3 =	vperm.xlane v3, v2  }
0x30: {  	[hbm4b:s4+s2] =	stream.indirect_vreg.scatter [tilespmem:s0], [sflag:$0x3], $0x80, v4, vm0, $0xb8;
	[tilespmem:$0x10100] =	vst v63  }
0x31: {  	v3 =	vadd.s32 v1, v3  }
0x32: {  	[hbm4b:s5+s2] =	stream.indirect_vreg.scatter [tilespmem:s31], [sflag:$0x3], $0x80, v4, vm0, $0xb8;
	[tilespmem:$0x10100] =	vst v63  }
0x33: {  	s25 =	simm.s32 $0x1900  }
0x34: {  	[hbm4b:s6+s2] =	stream.indirect_vreg.scatter [tilespmem:s25], [sflag:$0x3], $0x80, v4, vm0, $0xb8;
	[tilespmem:$0x10100] =	vst v63  }
0x35: {  	s26 =	simm.s32 $0x2100  }
0x36: {  	[hbm4b:s3+s2] =	stream.indirect_vreg.scatter [tilespmem:s26], [sflag:$0x3], $0x80, v3, vm0, $0xb8;
	[tilespmem:$0x10100] =	vst v63  }
0x37: {  	s25 =	simm.s32 $0x2900  }
0x38: {  	[hbm4b:s4+s2] =	stream.indirect_vreg.scatter [tilespmem:s25], [sflag:$0x3], $0x80, v3, vm0, $0xb8;
	[tilespmem:$0x10100] =	vst v63  }
0x39: {  	s26 =	simm.s32 $0x3100  }
0x3a: {  	[hbm4b:s5+s2] =	stream.indirect_vreg.scatter [tilespmem:s26], [sflag:$0x3], $0x80, v3, vm0, $0xb8;
	[tilespmem:$0x10100] =	vst v63  }
0x3b: {  	s25 =	simm.s32 $0x3900  }
0x3c: {  	[hbm4b:s6+s2] =	stream.indirect_vreg.scatter [tilespmem:s25], [sflag:$0x3], $0x80, v3, vm0, $0xb8;
	[tilespmem:$0x10100] =	vst v63  }
0x3d: {  	v3 =	vld [tilespmem:$0x10];
	_ =	sdelay $0x4  }
0x3e: {  	v57 =	vshll.u32 v3, $0x3  }
0x3f: {  	v3 =	vand.u32 $0x7, v3;
	v4 =	vand.u32 $0xFFFFFFC0, v57  }
0x40: {  	v3 =	vor.u32 v3, v4  }
0x41: {  	v4 =	vperm.xlane v3, v0;
	_ =	sdelay $0x1  }
0x42: {  	v4 =	vadd.s32 v1, v4;
	_ =	sdelay $0x3  }
0x43: {  	s26 =	simm.s32 $0x4100  }
0x44: {  	[hbm4b:s3+s2] =	stream.indirect_vreg.scatter [tilespmem:s26], [sflag:$0x3], $0x80, v4, vm0, $0xb8;
	[tilespmem:$0x10100] =	vst v63  }
0x45: {  	s25 =	simm.s32 $0x4900;
	v3 =	vperm.xlane v3, v2  }
0x46: {  	[hbm4b:s4+s2] =	stream.indirect_vreg.scatter [tilespmem:s25], [sflag:$0x3], $0x80, v4, vm0, $0xb8;
	[tilespmem:$0x10100] =	vst v63  }
0x47: {  	v3 =	vadd.s32 v1, v3;
	s26 =	simm.s32 $0x5100  }
0x48: {  	[hbm4b:s5+s2] =	stream.indirect_vreg.scatter [tilespmem:s26], [sflag:$0x3], $0x80, v4, vm0, $0xb8;
	[tilespmem:$0x10100] =	vst v63  }
0x49: {  	s25 =	simm.s32 $0x5900  }
0x4a: {  	[hbm4b:s6+s2] =	stream.indirect_vreg.scatter [tilespmem:s25], [sflag:$0x3], $0x80, v4, vm0, $0xb8;
	[tilespmem:$0x10100] =	vst v63  }
0x4b: {  	s26 =	simm.s32 $0x6100  }
0x4c: {  	[hbm4b:s3+s2] =	stream.indirect_vreg.scatter [tilespmem:s26], [sflag:$0x3], $0x80, v3, vm0, $0xb8;
	[tilespmem:$0x10100] =	vst v63  }
0x4d: {  	s25 =	simm.s32 $0x6900  }
0x4e: {  	[hbm4b:s4+s2] =	stream.indirect_vreg.scatter [tilespmem:s25], [sflag:$0x3], $0x80, v3, vm0, $0xb8;
	[tilespmem:$0x10100] =	vst v63  }
0x4f: {  	s26 =	simm.s32 $0x7100  }
0x50: {  	[hbm4b:s5+s2] =	stream.indirect_vreg.scatter [tilespmem:s26], [sflag:$0x3], $0x80, v3, vm0, $0xb8;
	[tilespmem:$0x10100] =	vst v63  }
0x51: {  	s25 =	simm.s32 $0x7900  }
0x52: {  	[hbm4b:s6+s2] =	stream.indirect_vreg.scatter [tilespmem:s25], [sflag:$0x3], $0x80, v3, vm0, $0xb8;
	[tilespmem:$0x10100] =	vst v63  }
0x53: {  	_ =	swait.ge [sflag:s30], $0x8000  }
0x54: {  	[sflag:s30] =	ssyncset.done $0x0  }
0x55: {  	s26 =	rddreg [dreg:$0x7];
	[sflag:s30] =	ssyncadd.s32 $0xFFFF8000  }
0x56: {  	[tilespmem:s2], [sflag:$0x5] =	stream.linear.gather [hbm4b:s26+s2], $0x20, $0x38;
	[tilespmem:$0x10100] =	vst v63  }
0x57: {  	_ =	swait.ge [sflag:s8], $0x20  }
0x58: {  	[sflag:s8] =	ssyncset.done $0x0  }
0x59: {  	s0 =	rddreg [dreg:$0x8];
	[sflag:s8] =	ssyncadd.s32 $0xFFFFFFE0  }
0x5a: {  	[tilespmem:s11], [sflag:$0x1] =	stream.linear.gather [hbm4b:s0+s2], $0x8000, $0x38;
	[tilespmem:$0x10100] =	vst v63  }
0x5b: {  	s0 =	simm.s32 $0x2  }
0x5c: {  	_ =	swait.ge [sflag:s0], $0x8000  }
0x5d: {  	[sflag:s0] =	ssyncset.done $0x0  }
0x5e: {  	[sflag:s0] =	ssyncadd.s32 $0xFFFF8000  }
0x5f: {  	v3 =	vld [tilespmem:$0x80];
	_ =	sdelay $0x4  }
0x60: {  	v58 =	vshll.u32 v3, $0x3  }
0x61: {  	v3 =	vand.u32 $0x7, v3;
	v4 =	vand.u32 $0xFFFFFFC0, v58  }
0x62: {  	v3 =	vor.u32 v3, v4  }
0x63: {  	v4 =	vperm.xlane v3, v0;
	_ =	sdelay $0x1  }
0x64: {  	v4 =	vadd.s32 v1, v4;
	_ =	sdelay $0x4  }
0x65: {  	[hbm4b:s3+s2] =	stream.indirect_vreg.scatter [tilespmem:s12], [sflag:$0x4], $0x80, v4, vm0, $0xb8;
	[tilespmem:$0x10100] =	vst v63  }
0x66: {  	v3 =	vperm.xlane v3, v2  }
0x67: {  	[hbm4b:s4+s2] =	stream.indirect_vreg.scatter [tilespmem:s23], [sflag:$0x4], $0x80, v4, vm0, $0xb8;
	[tilespmem:$0x10100] =	vst v63  }
0x68: {  	v3 =	vadd.s32 v1, v3  }
0x69: {  	[hbm4b:s5+s2] =	stream.indirect_vreg.scatter [tilespmem:s9], [sflag:$0x4], $0x80, v4, vm0, $0xb8;
	[tilespmem:$0x10100] =	vst v63  }
0x6a: {  	_ = 	snop  }
0x6b: {  	[hbm4b:s6+s2] =	stream.indirect_vreg.scatter [tilespmem:s1], [sflag:$0x4], $0x80, v4, vm0, $0xb8;
	[tilespmem:$0x10100] =	vst v63  }
0x6c: {  	_ = 	snop  }
0x6d: {  	[hbm4b:s3+s2] =	stream.indirect_vreg.scatter [tilespmem:s10], [sflag:$0x4], $0x80, v3, vm0, $0xb8;
	[tilespmem:$0x10100] =	vst v63  }
0x6e: {  	_ = 	snop  }
0x6f: {  	[hbm4b:s4+s2] =	stream.indirect_vreg.scatter [tilespmem:s13], [sflag:$0x4], $0x80, v3, vm0, $0xb8;
	[tilespmem:$0x10100] =	vst v63  }
0x70: {  	_ = 	snop  }
0x71: {  	[hbm4b:s5+s2] =	stream.indirect_vreg.scatter [tilespmem:s14], [sflag:$0x4], $0x80, v3, vm0, $0xb8;
	[tilespmem:$0x10100] =	vst v63  }
0x72: {  	_ = 	snop  }
0x73: {  	[hbm4b:s6+s2] =	stream.indirect_vreg.scatter [tilespmem:s15], [sflag:$0x4], $0x80, v3, vm0, $0xb8;
	[tilespmem:$0x10100] =	vst v63  }
0x74: {  	v3 =	vld [tilespmem:$0x90];
	_ =	sdelay $0x4  }
0x75: {  	v59 =	vshll.u32 v3, $0x3  }
0x76: {  	v3 =	vand.u32 $0x7, v3;
	v4 =	vand.u32 $0xFFFFFFC0, v59  }
0x77: {  	v3 =	vor.u32 v3, v4  }
0x78: {  	v4 =	vperm.xlane v3, v0;
	_ =	sdelay $0x1  }
0x79: {  	v4 =	vadd.s32 v1, v4;
	_ =	sdelay $0x4  }
0x7a: {  	[hbm4b:s3+s2] =	stream.indirect_vreg.scatter [tilespmem:s16], [sflag:$0x4], $0x80, v4, vm0, $0xb8;
	[tilespmem:$0x10100] =	vst v63  }
0x7b: {  	v3 =	vperm.xlane v3, v2  }
0x7c: {  	[hbm4b:s4+s2] =	stream.indirect_vreg.scatter [tilespmem:s17], [sflag:$0x4], $0x80, v4, vm0, $0xb8;
	[tilespmem:$0x10100] =	vst v63  }
0x7d: {  	v3 =	vadd.s32 v1, v3  }
0x7e: {  	[hbm4b:s5+s2] =	stream.indirect_vreg.scatter [tilespmem:s18], [sflag:$0x4], $0x80, v4, vm0, $0xb8;
	[tilespmem:$0x10100] =	vst v63  }
0x7f: {  	_ = 	snop  }
0x80: {  	[hbm4b:s6+s2] =	stream.indirect_vreg.scatter [tilespmem:s19], [sflag:$0x4], $0x80, v4, vm0, $0xb8;
	[tilespmem:$0x10100] =	vst v63  }
0x81: {  	_ = 	snop  }
0x82: {  	[hbm4b:s3+s2] =	stream.indirect_vreg.scatter [tilespmem:s20], [sflag:$0x4], $0x80, v3, vm0, $0xb8;
	[tilespmem:$0x10100] =	vst v63  }
0x83: {  	_ = 	snop  }
0x84: {  	[hbm4b:s4+s2] =	stream.indirect_vreg.scatter [tilespmem:s21], [sflag:$0x4], $0x80, v3, vm0, $0xb8;
	[tilespmem:$0x10100] =	vst v63  }
0x85: {  	_ = 	snop  }
0x86: {  	[hbm4b:s5+s2] =	stream.indirect_vreg.scatter [tilespmem:s22], [sflag:$0x4], $0x80, v3, vm0, $0xb8;
	[tilespmem:$0x10100] =	vst v63  }
0x87: {  	s26 =	simm.s32 $0xF900  }
0x88: {  	[hbm4b:s6+s2] =	stream.indirect_vreg.scatter [tilespmem:s26], [sflag:$0x4], $0x80, v3, vm0, $0xb8;
	[tilespmem:$0x10100] =	vst v63  }
0x89: {  	_ =	swait.ge [sflag:s24], $0x8000  }
0x8a: {  	[sflag:s24] =	ssyncset.done $0x0  }
0x8b: {  	s25 =	rddreg [dreg:$0x9];
	[sflag:s24] =	ssyncadd.s32 $0xFFFF8000  }
0x8c: {  	[tilespmem:s28], [sflag:$0x5] =	stream.linear.gather [hbm4b:s25+s2], $0x20, $0x38;
	[tilespmem:$0x10100] =	vst v63  }
0x8d: {  	_ =	swait.ge [sflag:s8], $0x20  }
0x8e: {  	[sflag:s8] =	ssyncset.done $0x0  }
0x8f: {  	s25 =	rddreg [dreg:$0xa];
	[sflag:s8] =	ssyncadd.s32 $0xFFFFFFE0  }
0x90: {  	[tilespmem:s12], [sflag:$0x2] =	stream.linear.gather [hbm4b:s25+s2], $0x8000, $0x38;
	[tilespmem:$0x10100] =	vst v63  }
0x91: {  	_ =	swait.ge [sflag:s29], $0x8000  }
0x92: {  	[sflag:s29] =	ssyncset.done $0x0  }
0x93: {  	[sflag:s29] =	ssyncadd.s32 $0xFFFF8000  }
0x94: {  	v3 =	vld [tilespmem:$0x0];
	_ =	sdelay $0x4  }
0x95: {  	v60 =	vshll.u32 v3, $0x3  }
0x96: {  	v3 =	vand.u32 $0x7, v3;
	v4 =	vand.u32 $0xFFFFFFC0, v60  }
0x97: {  	v3 =	vor.u32 v3, v4  }
0x98: {  	v4 =	vperm.xlane v3, v0;
	_ =	sdelay $0x1  }
0x99: {  	v4 =	vadd.s32 v1, v4;
	_ =	sdelay $0x4  }
0x9a: {  	[hbm4b:s3+s2] =	stream.indirect_vreg.scatter [tilespmem:s11], [sflag:$0x3], $0x80, v4, vm0, $0xb8;
	[tilespmem:$0x10100] =	vst v63  }
0x9b: {  	s25 =	simm.s32 $0x900;
	v3 =	vperm.xlane v3, v2  }
0x9c: {  	[hbm4b:s4+s2] =	stream.indirect_vreg.scatter [tilespmem:s25], [sflag:$0x3], $0x80, v4, vm0, $0xb8;
	[tilespmem:$0x10100] =	vst v63  }
0x9d: {  	v3 =	vadd.s32 v1, v3  }
0x9e: {  	[hbm4b:s5+s2] =	stream.indirect_vreg.scatter [tilespmem:s31], [sflag:$0x3], $0x80, v4, vm0, $0xb8;
	[tilespmem:$0x10100] =	vst v63  }
0x9f: {  	s25 =	simm.s32 $0x1900  }
0xa0: {  	[hbm4b:s6+s2] =	stream.indirect_vreg.scatter [tilespmem:s25], [sflag:$0x3], $0x80, v4, vm0, $0xb8;
	[tilespmem:$0x10100] =	vst v63  }
0xa1: {  	s25 =	simm.s32 $0x2100  }
0xa2: {  	[hbm4b:s3+s2] =	stream.indirect_vreg.scatter [tilespmem:s25], [sflag:$0x3], $0x80, v3, vm0, $0xb8;
	[tilespmem:$0x10100] =	vst v63  }
0xa3: {  	s25 =	simm.s32 $0x2900  }
0xa4: {  	[hbm4b:s4+s2] =	stream.indirect_vreg.scatter [tilespmem:s25], [sflag:$0x3], $0x80, v3, vm0, $0xb8;
	[tilespmem:$0x10100] =	vst v63  }
0xa5: {  	s25 =	simm.s32 $0x3100  }
0xa6: {  	[hbm4b:s5+s2] =	stream.indirect_vreg.scatter [tilespmem:s25], [sflag:$0x3], $0x80, v3, vm0, $0xb8;
	[tilespmem:$0x10100] =	vst v63  }
0xa7: {  	s25 =	simm.s32 $0x3900  }
0xa8: {  	[hbm4b:s6+s2] =	stream.indirect_vreg.scatter [tilespmem:s25], [sflag:$0x3], $0x80, v3, vm0, $0xb8;
	[tilespmem:$0x10100] =	vst v63  }
0xa9: {  	v3 =	vld [tilespmem:$0x10];
	_ =	sdelay $0x4  }
0xaa: {  	v61 =	vshll.u32 v3, $0x3  }
0xab: {  	v3 =	vand.u32 $0x7, v3;
	v4 =	vand.u32 $0xFFFFFFC0, v61  }
0xac: {  	v3 =	vor.u32 v3, v4  }
0xad: {  	v4 =	vperm.xlane v3, v0;
	_ =	sdelay $0x1  }
0xae: {  	v4 =	vadd.s32 v1, v4;
	_ =	sdelay $0x3  }
0xaf: {  	s25 =	simm.s32 $0x4100  }
0xb0: {  	[hbm4b:s3+s2] =	stream.indirect_vreg.scatter [tilespmem:s25], [sflag:$0x3], $0x80, v4, vm0, $0xb8;
	[tilespmem:$0x10100] =	vst v63  }
0xb1: {  	v3 =	vperm.xlane v3, v2;
	s25 =	simm.s32 $0x4900  }
0xb2: {  	[hbm4b:s4+s2] =	stream.indirect_vreg.scatter [tilespmem:s25], [sflag:$0x3], $0x80, v4, vm0, $0xb8;
	[tilespmem:$0x10100] =	vst v63  }
0xb3: {  	v3 =	vadd.s32 v1, v3;
	s25 =	simm.s32 $0x5100  }
0xb4: {  	[hbm4b:s5+s2] =	stream.indirect_vreg.scatter [tilespmem:s25], [sflag:$0x3], $0x80, v4, vm0, $0xb8;
	[tilespmem:$0x10100] =	vst v63  }
0xb5: {  	s25 =	simm.s32 $0x5900  }
0xb6: {  	[hbm4b:s6+s2] =	stream.indirect_vreg.scatter [tilespmem:s25], [sflag:$0x3], $0x80, v4, vm0, $0xb8;
	[tilespmem:$0x10100] =	vst v63  }
0xb7: {  	s25 =	simm.s32 $0x6100  }
0xb8: {  	[hbm4b:s3+s2] =	stream.indirect_vreg.scatter [tilespmem:s25], [sflag:$0x3], $0x80, v3, vm0, $0xb8;
	[tilespmem:$0x10100] =	vst v63  }
0xb9: {  	s25 =	simm.s32 $0x6900  }
0xba: {  	[hbm4b:s4+s2] =	stream.indirect_vreg.scatter [tilespmem:s25], [sflag:$0x3], $0x80, v3, vm0, $0xb8;
	[tilespmem:$0x10100] =	vst v63  }
0xbb: {  	s25 =	simm.s32 $0x7100  }
0xbc: {  	[hbm4b:s5+s2] =	stream.indirect_vreg.scatter [tilespmem:s25], [sflag:$0x3], $0x80, v3, vm0, $0xb8;
	[tilespmem:$0x10100] =	vst v63  }
0xbd: {  	s25 =	simm.s32 $0x7900  }
0xbe: {  	[hbm4b:s6+s2] =	stream.indirect_vreg.scatter [tilespmem:s25], [sflag:$0x3], $0x80, v3, vm0, $0xb8;
	[tilespmem:$0x10100] =	vst v63  }
0xbf: {  	_ =	swait.ge [sflag:s0], $0x8000  }
0xc0: {  	[sflag:s0] =	ssyncset.done $0x0  }
0xc1: {  	[sflag:s0] =	ssyncadd.s32 $0xFFFF8000  }
0xc2: {  	v3 =	vld [tilespmem:$0x80];
	_ =	sdelay $0x4  }
0xc3: {  	v62 =	vshll.u32 v3, $0x3  }
0xc4: {  	v3 =	vand.u32 $0x7, v3;
	v4 =	vand.u32 $0xFFFFFFC0, v62  }
0xc5: {  	v3 =	vor.u32 v3, v4  }
0xc6: {  	v4 =	vperm.xlane v3, v0;
	_ =	sdelay $0x1  }
0xc7: {  	v4 =	vadd.s32 v1, v4;
	_ =	sdelay $0x4  }
0xc8: {  	[hbm4b:s3+s2] =	stream.indirect_vreg.scatter [tilespmem:s12], [sflag:$0x4], $0x80, v4, vm0, $0xb8;
	[tilespmem:$0x10100] =	vst v63  }
0xc9: {  	v3 =	vperm.xlane v3, v2  }
0xca: {  	[hbm4b:s4+s2] =	stream.indirect_vreg.scatter [tilespmem:s23], [sflag:$0x4], $0x80, v4, vm0, $0xb8;
	[tilespmem:$0x10100] =	vst v63  }
0xcb: {  	v3 =	vadd.s32 v1, v3  }
0xcc: {  	[hbm4b:s5+s2] =	stream.indirect_vreg.scatter [tilespmem:s9], [sflag:$0x4], $0x80, v4, vm0, $0xb8;
	[tilespmem:$0x10100] =	vst v63  }
0xcd: {  	_ = 	snop  }
0xce: {  	[hbm4b:s6+s2] =	stream.indirect_vreg.scatter [tilespmem:s1], [sflag:$0x4], $0x80, v4, vm0, $0xb8;
	[tilespmem:$0x10100] =	vst v63  }
0xcf: {  	_ = 	snop  }
0xd0: {  	[hbm4b:s3+s2] =	stream.indirect_vreg.scatter [tilespmem:s10], [sflag:$0x4], $0x80, v3, vm0, $0xb8;
	[tilespmem:$0x10100] =	vst v63  }
0xd1: {  	_ = 	snop  }
0xd2: {  	[hbm4b:s4+s2] =	stream.indirect_vreg.scatter [tilespmem:s13], [sflag:$0x4], $0x80, v3, vm0, $0xb8;
	[tilespmem:$0x10100] =	vst v63  }
0xd3: {  	_ = 	snop  }
0xd4: {  	[hbm4b:s5+s2] =	stream.indirect_vreg.scatter [tilespmem:s14], [sflag:$0x4], $0x80, v3, vm0, $0xb8;
	[tilespmem:$0x10100] =	vst v63  }
0xd5: {  	_ = 	snop  }
0xd6: {  	[hbm4b:s6+s2] =	stream.indirect_vreg.scatter [tilespmem:s15], [sflag:$0x4], $0x80, v3, vm0, $0xb8;
	[tilespmem:$0x10100] =	vst v63  }
0xd7: {  	v3 =	vld [tilespmem:$0x90];
	_ =	sdelay $0x4  }
0xd8: {  	v63 =	vshll.u32 v3, $0x3  }
0xd9: {  	v3 =	vand.u32 $0x7, v3;
	v4 =	vand.u32 $0xFFFFFFC0, v63  }
0xda: {  	v3 =	vor.u32 v3, v4  }
0xdb: {  	v4 =	vperm.xlane v3, v0;
	_ =	sdelay $0x1  }
0xdc: {  	v4 =	vadd.s32 v1, v4;
	_ =	sdelay $0x4  }
0xdd: {  	[hbm4b:s3+s2] =	stream.indirect_vreg.scatter [tilespmem:s16], [sflag:$0x4], $0x80, v4, vm0, $0xb8;
	[tilespmem:$0x10100] =	vst v63  }
0xde: {  	v3 =	vperm.xlane v3, v2  }
0xdf: {  	[hbm4b:s4+s2] =	stream.indirect_vreg.scatter [tilespmem:s17], [sflag:$0x4], $0x80, v4, vm0, $0xb8;
	[tilespmem:$0x10100] =	vst v63  }
0xe0: {  	v3 =	vadd.s32 v1, v3  }
0xe1: {  	[hbm4b:s5+s2] =	stream.indirect_vreg.scatter [tilespmem:s18], [sflag:$0x4], $0x80, v4, vm0, $0xb8;
	[tilespmem:$0x10100] =	vst v63  }
0xe2: {  	_ = 	snop  }
0xe3: {  	[hbm4b:s6+s2] =	stream.indirect_vreg.scatter [tilespmem:s19], [sflag:$0x4], $0x80, v4, vm0, $0xb8;
	[tilespmem:$0x10100] =	vst v63  }
0xe4: {  	_ = 	snop  }
0xe5: {  	[hbm4b:s3+s2] =	stream.indirect_vreg.scatter [tilespmem:s20], [sflag:$0x4], $0x80, v3, vm0, $0xb8;
	[tilespmem:$0x10100] =	vst v63  }
0xe6: {  	_ = 	snop  }
0xe7: {  	[hbm4b:s4+s2] =	stream.indirect_vreg.scatter [tilespmem:s21], [sflag:$0x4], $0x80, v3, vm0, $0xb8;
	[tilespmem:$0x10100] =	vst v63  }
0xe8: {  	_ = 	snop  }
0xe9: {  	[hbm4b:s5+s2] =	stream.indirect_vreg.scatter [tilespmem:s22], [sflag:$0x4], $0x80, v3, vm0, $0xb8;
	[tilespmem:$0x10100] =	vst v63  }
0xea: {  	_ = 	snop  }
0xeb: {  	[hbm4b:s6+s2] =	stream.indirect_vreg.scatter [tilespmem:s26], [sflag:$0x4], $0x80, v3, vm0, $0xb8;
	[tilespmem:$0x10100] =	vst v63  }
0xec: {  	p0 =	sne.s32 s7, $0x1;
	_ =	swait.ge [sflag:s30], $0x8000  }
.Ltmp0:
0xed: {  	[sflag:s30] =	ssyncset.done $0x0;
	(pc) =	sbr.rel @p0 .LBB2_1-.Ltmp0, $4  }
0xee: {  	[sflag:s30] =	ssyncadd.s32 $0xFFFF8000  }
0xef: {  	_ =	swait.ge [sflag:s24], $0x8000  }
0xf0: {  	[sflag:s24] =	ssyncset.done $0x0  }
0xf1: {  	s7 =	sadd.s32 $0xFFFFFFFF, s7;
	[sflag:s24] =	ssyncadd.s32 $0xFFFF8000  }
0xf2: {  	_ =	sfence.sel $0x180000  }
0xf3: {  	[bflag:$0x0] =	sbarrier.arrive $0xFFFF  }
0xf4: {  	_ =	strace $0x90000047  }
0xf5: {  	s0 =	stileid.u32;
	[bflag:$0x2] =	sbarrier.arrive $0xFFFF  }
0xf6: {  	p0 =	sne.s32 s0, $0x0;
	s0 =	rddreg [dreg:$0x2]  }
0xf7: {  	s0 =	sadd.s32 @!p0 $0x100000, s0  }
0xf8: {  	[sflag:s0] =	ssyncadd.tile.s32 @!p0 $0x1;
	_ =	shalt  }
.Lfunc_end2:
_tile_overlayer_lowered:
.L_overlay_start_2:
0xf9: {  	(tag) =	ssettag $0x2  }
0xfa: {  	s0 =	rddreg [dreg:$0x0];
	s2 =	stileid.u32  }
0xfb: {  	s1 =	rddreg [dreg:$0x1];
	p0 =	sne.s32 s2, $0x0  }
0xfc: {  	s3 =	rddreg [dreg:$0x2];
	[bflag:$0x3] =	sbarrier.arrive $0xFFFF;
	s2 =	simm.s32 @!p0 $0x1C05  }
0xfd: {  	[timem:s3], [sflag:s2] =	dma.local @!p0 [hbm:s0], s1  }
0xfe: {  	s0 =	simm.s32 @!p0 $0x5  }
0xff: {  	_ =	swait.ge @!p0 [sflag:s0], s1  }
0x100: {  	s1 =	ssub.s32 @!p0 $0x0, s1;
	[sflag:s0] =	ssyncset.done @!p0 $0x0  }
0x101: {  	[sflag:s0] =	ssyncadd.s32 @!p0 s1  }
0x102: {  	[bflag:$0x3] =	sbarrier.arrive $0xFFFF  }
0x103: {  	_ =	shalt  }

// kernel: kernel.8.cloned.1.call-start
scs
__scs_entry_jumppad:
0x0: {  	(pc) =	sbr.rel $0x88, $3  }
0x1: {  	(tag) =	ssettag $0x0;
	lr =	simm.s32 $0x1  }
0x2: {  	[smem:$0x3F9B] =	sst lr;
	_ =	strace $0xD0000000  }
0x3: {  	_ = 	snop  }
0x4: {  	_ = 	snop  }
0x5: {  	_ = 	snop  }
0x6: {  	_ = 	snop  }
0x7: {  	_ = 	snop  }
__scs_overlays_trampoline_lowered:
0x8: {  	[smem:$0x3FAA] =	sst s0  }
0x9: {  	[smem:$0x3FAB] =	sst s1  }
0xa: {  	[smem:$0x3FAC] =	sst s2  }
0xb: {  	[smem:$0x3FAD] =	sst s3  }
0xc: {  	[smem:$0x3FAE] =	sst s4  }
0xd: {  	[smem:$0x3FAF] =	sst s5  }
0xe: {  	[smem:$0x3FB0] =	sst s6  }
0xf: {  	[smem:$0x3FB1] =	sst s7  }
0x10: {  	[smem:$0x3FB2] =	sst s8  }
0x11: {  	[smem:$0x3FB3] =	sst s9;
	s0 =	simm.s32 @!p0 $0x0  }
0x12: {  	s1 =	sld [smem:$0x3F99];
	s0 =	simm.s32 @p0 $0x1  }
0x13: {  	[smem:$0x3FB4] =	sst s0;
	s0 =	simm.s32 @!p1 $0x0  }
0x14: {  	s2 =	sld [smem:$0x3F98];
	s0 =	simm.s32 @p1 $0x1  }
0x15: {  	[smem:$0x3FB5] =	sst s0;
	s0 =	simm.s32 @!p2 $0x0  }
0x16: {  	s3 =	sld [smem:$0x3FDB];
	s0 =	simm.s32 @p2 $0x1  }
0x17: {  	s4 =	simm.s32 $0x1BF5;
	[smem:$0x3FB7] =	sst s0  }
0x18: {  	s0 =	sld [smem:$0x3F9A];
	_ =	swait.ge [sflag:s4], $0x0  }
0x19: {  	s7 =	sld [smem:$0x3F9B]  }
0x1a: {  	s8 =	sadd.s32 $0xFFFFE003, lr  }
0x1b: {  	s9 =	sadd.s32 $0xFFFFFEF7, lr;
	s5 =	simm.s32 $0xFFFFFFFF;
	p2 =	slt.u32 s8, $0xFFFFF086  }
0x1c: {  	p1 =	slt.u32 s9, $0xF7A;
	s5 =	simm.s32 @!p2 $0x0  }
0x1d: {  	s5 =	simm.s32 @p1 $0x1;
	p0 =	seq.s32 s7, s2  }
0x1e: {  	s7 =	smul.u32 @!p0 $0xF7A, s2;
	p2 =	seq.s32 @!p0 s5, $0x0  }
0x1f: {  	s9 =	smul.u32 $0xF7A, s1;
	s8 =	simm.s32 @!p0 $0x1BF5;
	p2 =	por !p2, p0  }
0x20: {  	[sflag:s8] =	ssyncset.s32 @!p0 $0xFFFFF086;
	s6 =	sadd.s32 @!p0 s3, s7;
	s7 =	simm.s32 @!p0 $0x108  }
0x21: {  	s3 =	sadd.s32 s3, s9;
	s6 =	sadd.s32 @!p0 $0x88, s6;
	s7 =	simm.s32 @p2 $0x1082  }
0x22: {  	[simem:s7], [sflag:s8] =	dma.local @!p0 [hbm:s6], $0xF7A  }
0x23: {  	s9 =	sor.u32 $0xD0000000, s2;
	s6 =	simm.s32 $0x108;
	_ =	swait.ge @!p0 [sflag:s8], $0x0  }
0x24: {  	s3 =	sadd.s32 $0x88, s3;
	s6 =	simm.s32 @!p1 $0x1082;
	[sflag:s4] =	ssyncset.s32 $0xFFFFF086  }
0x25: {  	[simem:s6], [sflag:s4] =	dma.local [hbm:s3], $0xF7A  }
0x26: {  	[smem:$0x3F9B] =	sst s1;
	(tag) =	ssettag s2;
	_ =	strace s9  }
0x27: {  	s1 =	sld [smem:$0x3FAB]  }
0x28: {  	s2 =	sld [smem:$0x3FAC]  }
0x29: {  	s4 =	sld [smem:$0x3FAE]  }
0x2a: {  	p0 =	seq.s32 s5, $0x0;
	s5 =	sld [smem:$0x3FAF]  }
0x2b: {  	s6 =	sld [smem:$0x3FB0]  }
0x2c: {  	s7 =	sld [smem:$0x3FB1]  }
0x2d: {  	s3 =	simm.s32 $0x108;
	s8 =	sld [smem:$0x3FB2]  }
0x2e: {  	s3 =	simm.s32 @!p0 $0x1082;
	s9 =	sld [smem:$0x3FB3]  }
0x2f: {  	lr =	sadd.s32 s0, s3;
	s0 =	sld [smem:$0x3FAA]  }
0x30: {  	s3 =	sld [smem:$0x3FAD]  }
0x31: {  	[smem:$0x3FB6] =	sst s10  }
0x32: {  	s10 =	sld [smem:$0x3FB4];
	_ =	sdelay $0x3  }
0x33: {  	p0 =	seq.s32 s10, $0x1;
	s10 =	sld [smem:$0x3FB6];
	_ =	sdelay $0x3  }
0x34: {  	[smem:$0x3FB6] =	sst s10  }
0x35: {  	s10 =	sld [smem:$0x3FB5];
	_ =	sdelay $0x3  }
0x36: {  	p1 =	seq.s32 s10, $0x1;
	s10 =	sld [smem:$0x3FB6];
	_ =	sdelay $0x3  }
0x37: {  	[smem:$0x3FB6] =	sst s10  }
0x38: {  	s10 =	sld [smem:$0x3FB7]  }
0x39: {  	_ = 	snop;
	(pc) =	sbr.ind lr, $3  }
0x3a: {  	_ = 	snop  }
0x3b: {  	_ = 	snop  }
0x3c: {  	p2 =	seq.s32 s10, $0x1;
	s10 =	sld [smem:$0x3FB6]  }
0x3d: {  	_ =	shalt  }
0x3e: {  	_ =	shalt  }
0x3f: {  	_ =	shalt  }
0x40: {  	_ =	shalt  }
0x41: {  	_ =	shalt  }
0x42: {  	_ =	shalt  }
0x43: {  	_ =	shalt  }
0x44: {  	_ =	shalt  }
0x45: {  	_ =	shalt  }
0x46: {  	_ =	shalt  }
0x47: {  	_ =	shalt  }
0x48: {  	_ =	shalt  }
0x49: {  	_ =	shalt  }
0x4a: {  	_ =	shalt  }
0x4b: {  	_ =	shalt  }
0x4c: {  	_ =	shalt  }
0x4d: {  	_ =	shalt  }
0x4e: {  	_ =	shalt  }
0x4f: {  	_ =	shalt  }
0x50: {  	_ =	shalt  }
0x51: {  	_ =	shalt  }
0x52: {  	_ =	shalt  }
0x53: {  	_ =	shalt  }
0x54: {  	_ =	shalt  }
0x55: {  	_ =	shalt  }
0x56: {  	_ =	shalt  }
0x57: {  	_ =	shalt  }
0x58: {  	_ =	shalt  }
0x59: {  	_ =	shalt  }
0x5a: {  	_ =	shalt  }
0x5b: {  	_ =	shalt  }
0x5c: {  	_ =	shalt  }
0x5d: {  	_ =	shalt  }
0x5e: {  	_ =	shalt  }
0x5f: {  	_ =	shalt  }
0x60: {  	_ =	shalt  }
0x61: {  	_ =	shalt  }
0x62: {  	_ =	shalt  }
0x63: {  	_ =	shalt  }
0x64: {  	_ =	shalt  }
0x65: {  	_ =	shalt  }
0x66: {  	_ =	shalt  }
0x67: {  	_ =	shalt  }
0x68: {  	_ =	shalt  }
0x69: {  	_ =	shalt  }
0x6a: {  	_ =	shalt  }
0x6b: {  	_ =	shalt  }
0x6c: {  	_ =	shalt  }
0x6d: {  	_ =	shalt  }
0x6e: {  	_ =	shalt  }
0x6f: {  	_ =	shalt  }
0x70: {  	_ =	shalt  }
0x71: {  	_ =	shalt  }
0x72: {  	_ =	shalt  }
0x73: {  	_ =	shalt  }
0x74: {  	_ =	shalt  }
0x75: {  	_ =	shalt  }
0x76: {  	_ =	shalt  }
0x77: {  	_ =	shalt  }
0x78: {  	_ =	shalt  }
0x79: {  	_ =	shalt  }
0x7a: {  	_ =	shalt  }
0x7b: {  	_ =	shalt  }
0x7c: {  	_ =	shalt  }
0x7d: {  	_ =	shalt  }
0x7e: {  	_ =	shalt  }
0x7f: {  	_ =	shalt  }
0x80: {  	_ =	shalt  }
0x81: {  	_ =	shalt  }
0x82: {  	_ =	shalt  }
0x83: {  	_ =	shalt  }
0x84: {  	_ =	shalt  }
0x85: {  	_ =	shalt  }
0x86: {  	_ =	shalt  }
0x87: {  	_ =	shalt  }
.Lfunc_end0:
.L_simem_size_0:
called_computation.1_lowered:
.L_overlay_start_0:
0x88: {  	s2 =	sld [smem:$0x3FD9]  }
0x89: {  	s3 =	sld [smem:$0x3FFE];
	_ =	sdelay $0x1  }
0x8a: {  	s1 =	srdreg.scid  }
0x8b: {  	s0 =	sand.u32 $0x1, s1  }
0x8c: {  	s17 =	sshll.u32 s0, $0xA;
	s2 =	sadd.s32 s3, s2  }
0x8d: {  	s2 =	sadd.s32 s2, s17  }
0x8e: {  	[smem:$0x3FC2] =	sst s2  }
0x8f: {  	_ = 	snop  }
0x90: {  	s2 =	sld [smem:$0x3FD0];
	(tm) =	ssettm $0x1  }
0x91: {  	s18 =	sld [smem:$0x3FFB];
	_ =	sdelay $0x3  }
0x92: {  	_ =	strace s18  }
0x93: {  	s3 =	sld [smem:$0x3FFC];
	_ =	sdelay $0x3  }
0x94: {  	_ =	strace s3  }
0x95: {  	s3 =	sld [smem:$0x3FFD];
	_ =	sdelay $0x3  }
0x96: {  	_ =	strace s3  }
0x97: {  	_ =	strace $0x8FFFFFFF  }
0x98: {  	s19 =	sld [smem:$0x3FDB];
	_ =	sdelay $0x1  }
0x99: {  	s4 =	simm.s32 $_scs_section_size  }
0x9a: {  	s5 =	simm.s32 $_size__tile_overlayer_lowered;
	s6 =	simm.s32 $_tile_overlayer_lowered  }
0x9b: {  	s22 =	simm.s32 $0x1BFF;
	s21 =	sshll.u32 s6, $0x1;
	s3 =	sadd.s32 s4, s19  }
0x9c: {  	s7 =	simm.s32 $0x0;
	s20 =	sshll.u32 s5, $0x1;
	s5 =	sadd.s32 s21, s3  }
0x9d: {  	[timem:s7], [sflag:s22] =	dma.local [hbm:s5], s20  }
0x9e: {  	_ =	swait.ge [sflag:s22], s20  }
0x9f: {  	s4 =	ssub.s32 $0x0, s20;
	[sflag:s22] =	ssyncset.done $0x0  }
0xa0: {  	[sflag:s22] =	ssyncadd.s32 s4;
	_ =	sdelay $0x1  }
0xa1: {  	s23 =	simm.s32 $0x1B8B  }
0xa2: {  	_ =	swait.ge [sflag:s23], $0x1  }
0xa3: {  	[sflag:s23] =	ssyncset.done $0x0  }
0xa4: {  	s25 =	simm.s32 $0x1B8E;
	s24 =	sld [smem:$0x3FFE];
	[sflag:s23] =	ssyncadd.s32 $0xFFFFFFFF  }
0xa5: {  	s26 =	simm.s32 $execute0_lowered;
	[smem:$0x3FD2] =	sst s25  }
0xa6: {  	s5 =	sshll.u32 s26, $0x1;
	_ =	strace $0x80000049;
	[dreg:$0x1] =	wrdreg $0xFFFFFFFF  }
0xa7: {  	s28 =	simm.s32 $_size_execute0_lowered;
	s3 =	sadd.s32 s3, s5;
	[dreg:$0x0] =	wrdreg $0x0  }
0xa8: {  	s5 =	sshll.u32 s28, $0x1;
	[dreg:$0x2] =	wrdreg s3  }
0xa9: {  	[dreg:$0x3] =	wrdreg s5  }
0xaa: {  	[dreg:$0x4] =	wrdreg $0xC0  }
0xab: {  	_ =	task [dreg:s7], $0x5FFFF  }
0xac: {  	[dreg:$0x1] =	wrdreg $0xFFFFFFFF  }
0xad: {  	[dreg:$0x0] =	wrdreg $0x60  }
0xae: {  	[dreg:$0x2] =	wrdreg s24  }
0xaf: {  	[dreg:$0x3] =	wrdreg s2  }
0xb0: {  	[dreg:$0x4] =	wrdreg $0x9  }
0xb1: {  	_ =	task.clear_ibuf [dreg:s7], $0x5FFFF;
	_ =	strace $0x90000049  }
0xb2: {  	s29 =	simm.s32 $0x9;
	_ =	strace $0x8000004B  }
0xb3: {  	_ =	swait.ge [sflag:s29], $0x1  }
0xb4: {  	[sflag:s29] =	ssyncadd.s32 $0xFFFFFFFF  }
0xb5: {  	_ =	strace $0x9000004B  }
0xb6: {  	_ =	sfence  }
0xb7: {  	s30 =	sld [smem:$0x0];
	_ =	sdelay $0x2  }
0xb8: {  	s31 =	sshll.u32 s1, $0xD;
	s1 =	sshrl.u32 s1, $0x2  }
0xb9: {  	s3 =	sand.u32 $0x4000, s31;
	s1 =	sadd.s32 s1, s30  }
0xba: {  	s0 =	sor.u32 s3, s0;
	s1 =	sshll.u32 s1, $0x11  }
0xbb: {  	s0 =	sor.u32 s1, s0  }
0xbc: {  	s0 =	sadd.s32 $0x8F2B, s0  }
0xbd: {  	[sflag:s0] =	ssyncadd.remote.s32 $0x1  }
0xbe: {  	_ =	sfence.sel $0xFFFF  }
0xbf: {  	[dreg:$0x0] =	wrdreg $0xFFFFFFFF;
	(pc) =	sbr.abs _section_cstart, $3  }
0xc0: {  	[dreg:$0x1] =	wrdreg $0xFFFFFFFF  }
0xc1: {  	_ =	task.clear_ibuf [dreg:s7], $0x2FFFF;
	_ =	strace $0x9FFFFFFF  }
0xc2: {  	(tm) =	ssettm $0x7FFFFFFF  }
0xc3: {  	_ =	shalt  }
tec
execute0_lowered:
.L_overlay_start_1:
0x0: {  	(tag) =	ssettag $0x1  }
0x1: {  	s0 =	rddreg [dreg:$0x0]  }
0x2: {  	s1 =	rddreg [dreg:$0x1];
	s2 =	simm.s32 $0x0;
	s3 =	srdreg.scid  }
0x3: {  	s5 =	stileid.u32;
	s28 =	simm.s32 $0x1900;
	s29 =	simm.s32 $0x2100  }
0x4: {  	s30 =	simm.s32 $0x2900;
	s31 =	simm.s32 $0x3100;
	s11 =	simm.s32 $0x5100  }
0x5: {  	s12 =	simm.s32 $0x5900;
	s13 =	simm.s32 $0x6100;
	s14 =	simm.s32 $0x6900  }
0x6: {  	s15 =	simm.s32 $0x7100;
	s16 =	simm.s32 $0x7900;
	[smem:$0x7FF] =	sst s2  }
0x7: {  	s4 =	sand.u32 $0x1, s3;
	s5 =	sshll.u32 s5, $0x8;
	s3 =	sadd.s32 $0x100C00, s0  }
0x8: {  	s7 =	sadd.s32 $0xA00, s0;
	s6 =	sshll.u32 s4, $0x7;
	s4 =	ssub.s32 $0x2, s4  }
0x9: {  	_ =	strace $0x8000004A;
	s5 =	sor.u32 s6, s5;
	s9 =	sshrl.u32 s4, $0x1  }
0xa: {  	s6 =	sshrl.u32 s5, $0x3;
	s8 =	sor.u32 $0x20, s5;
	s18 =	sshll.u32 s5, $0x7  }
0xb: {  	s20 =	sor.u32 $0x40, s5;
	s9 =	ssub.s32 s4, s9;
	s5 =	sor.u32 $0x60, s5  }
0xc: {  	s6 =	sadd.s32 s7, s6;
	s10 =	sshrl.u32 s8, $0x3;
	s19 =	sadd.s32 s1, s18  }
0xd: {  	s21 =	sshrl.u32 s20, $0x3;
	s22 =	sshll.u32 s8, $0x7;
	s24 =	sshrl.u32 s5, $0x3  }
0xe: {  	s26 =	sshll.u32 s20, $0x7;
	s5 =	sshll.u32 s5, $0x7;
	s8 =	simm.s32 $0x5  }
0xf: {  	s20 =	simm.s32 $0x3;
	s18 =	simm.s32 $0x8900;
	[dreg:$0x3] =	wrdreg s6  }
0x10: {  	s17 =	sadd.s32 s7, s10;
	[dreg:$0x5] =	wrdreg s19;
	s4 =	sadd.s32 s7, s21  }
0x11: {  	s23 =	sadd.s32 s1, s22;
	s25 =	sadd.s32 s7, s24;
	s6 =	sadd.s32 s1, s26  }
0x12: {  	s1 =	sadd.s32 s1, s5;
	s5 =	sadd.s32 $0x100E00, s0;
	[dreg:$0x4] =	wrdreg s17  }
0x13: {  	s7 =	smax.u32 s9, $0x1;
	s9 =	simm.s32 $0x1;
	[dreg:$0x6] =	wrdreg s4  }
0x14: {  	s21 =	simm.s32 $0x2;
	s22 =	simm.s32 $0x4;
	[dreg:$0x7] =	wrdreg s23  }
0x15: {  	s26 =	simm.s32 $0x100;
	s24 =	simm.s32 $0x900;
	[dreg:$0x8] =	wrdreg s25  }
0x16: {  	v2 =	vlaneseq.u32;
	s10 =	simm.s32 $0x4900;
	s19 =	simm.s32 $0x8100;
	[dreg:$0x9] =	wrdreg s6  }
0x17: {  	vm0 =	vmmov $0xffff;
	v1 =	vshrl.u32 v2, $0x3;
	s4 =	sadd.s32 $0x100D00, s0;
	s6 =	sadd.s32 $0x100F00, s0;
	[dreg:$0xa] =	wrdreg s1  }
0x18: {  	v0 =	vand.u32 $0x7, v2;
	v2 =	vor.u32 $0x8, v2;
	v1 =	vmul.u32 $0x8, v1;
	s25 =	simm.s32 $0x1100;
	s1 =	simm.s32 $0x4100;
	s17 =	simm.s32 $0x80  }
.LBB2_1:
0x19: {  	s23 =	rddreg [dreg:$0x3]  }
0x1a: {  	[tilespmem:s2], [sflag:$0x5] =	stream.linear.gather [hbm4b:s23+s2], $0x20, $0x38;
	[tilespmem:$0x10100] =	vst v63  }
0x1b: {  	_ =	swait.ge [sflag:s8], $0x20  }
0x1c: {  	[sflag:s8] =	ssyncset.done $0x0  }
0x1d: {  	[sflag:s8] =	ssyncadd.s32 $0xFFFFFFE0  }
0x1e: {  	v3 =	vld [tilespmem:$0x0];
	_ =	sdelay $0x4  }
0x1f: {  	v4 =	vshll.u32 v3, $0x3  }
0x20: {  	v3 =	vand.u32 $0x7, v3;
	v4 =	vand.u32 $0xFFFFFFC0, v4  }
0x21: {  	v3 =	vor.u32 v3, v4  }
0x22: {  	v4 =	vperm.xlane v3, v0;
	_ =	sdelay $0x1  }
0x23: {  	v4 =	vadd.s32 v1, v4;
	_ =	sdelay $0x4  }
0x24: {  	[tilespmem:s26], [sflag:$0x1] =	stream.indirect_vreg.gather [hbm4b:s3+s2], $0x80, v4, vm0, $0xb8;
	[tilespmem:$0x10100] =	vst v63  }
0x25: {  	v3 =	vperm.xlane v3, v2  }
0x26: {  	[tilespmem:s24], [sflag:$0x1] =	stream.indirect_vreg.gather [hbm4b:s4+s2], $0x80, v4, vm0, $0xb8;
	[tilespmem:$0x10100] =	vst v63  }
0x27: {  	v3 =	vadd.s32 v1, v3  }
0x28: {  	[tilespmem:s25], [sflag:$0x1] =	stream.indirect_vreg.gather [hbm4b:s5+s2], $0x80, v4, vm0, $0xb8;
	[tilespmem:$0x10100] =	vst v63  }
0x29: {  	_ = 	snop  }
0x2a: {  	[tilespmem:s28], [sflag:$0x1] =	stream.indirect_vreg.gather [hbm4b:s6+s2], $0x80, v4, vm0, $0xb8;
	[tilespmem:$0x10100] =	vst v63  }
0x2b: {  	_ = 	snop  }
0x2c: {  	[tilespmem:s29], [sflag:$0x1] =	stream.indirect_vreg.gather [hbm4b:s3+s2], $0x80, v3, vm0, $0xb8;
	[tilespmem:$0x10100] =	vst v63  }
0x2d: {  	_ = 	snop  }
0x2e: {  	[tilespmem:s30], [sflag:$0x1] =	stream.indirect_vreg.gather [hbm4b:s4+s2], $0x80, v3, vm0, $0xb8;
	[tilespmem:$0x10100] =	vst v63  }
0x2f: {  	_ = 	snop  }
0x30: {  	[tilespmem:s31], [sflag:$0x1] =	stream.indirect_vreg.gather [hbm4b:s5+s2], $0x80, v3, vm0, $0xb8;
	[tilespmem:$0x10100] =	vst v63  }
0x31: {  	s0 =	simm.s32 $0x3900  }
0x32: {  	[tilespmem:s0], [sflag:$0x1] =	stream.indirect_vreg.gather [hbm4b:s6+s2], $0x80, v3, vm0, $0xb8;
	[tilespmem:$0x10100] =	vst v63  }
0x33: {  	v3 =	vld [tilespmem:$0x10];
	_ =	sdelay $0x4  }
0x34: {  	v57 =	vshll.u32 v3, $0x3  }
0x35: {  	v3 =	vand.u32 $0x7, v3;
	v4 =	vand.u32 $0xFFFFFFC0, v57  }
0x36: {  	v3 =	vor.u32 v3, v4  }
0x37: {  	v4 =	vperm.xlane v3, v0;
	_ =	sdelay $0x1  }
0x38: {  	v4 =	vadd.s32 v1, v4;
	_ =	sdelay $0x4  }
0x39: {  	[tilespmem:s1], [sflag:$0x1] =	stream.indirect_vreg.gather [hbm4b:s3+s2], $0x80, v4, vm0, $0xb8;
	[tilespmem:$0x10100] =	vst v63  }
0x3a: {  	v3 =	vperm.xlane v3, v2  }
0x3b: {  	[tilespmem:s10], [sflag:$0x1] =	stream.indirect_vreg.gather [hbm4b:s4+s2], $0x80, v4, vm0, $0xb8;
	[tilespmem:$0x10100] =	vst v63  }
0x3c: {  	v3 =	vadd.s32 v1, v3  }
0x3d: {  	[tilespmem:s11], [sflag:$0x1] =	stream.indirect_vreg.gather [hbm4b:s5+s2], $0x80, v4, vm0, $0xb8;
	[tilespmem:$0x10100] =	vst v63  }
0x3e: {  	_ = 	snop  }
0x3f: {  	[tilespmem:s12], [sflag:$0x1] =	stream.indirect_vreg.gather [hbm4b:s6+s2], $0x80, v4, vm0, $0xb8;
	[tilespmem:$0x10100] =	vst v63  }
0x40: {  	_ = 	snop  }
0x41: {  	[tilespmem:s13], [sflag:$0x1] =	stream.indirect_vreg.gather [hbm4b:s3+s2], $0x80, v3, vm0, $0xb8;
	[tilespmem:$0x10100] =	vst v63  }
0x42: {  	_ = 	snop  }
0x43: {  	[tilespmem:s14], [sflag:$0x1] =	stream.indirect_vreg.gather [hbm4b:s4+s2], $0x80, v3, vm0, $0xb8;
	[tilespmem:$0x10100] =	vst v63  }
0x44: {  	_ = 	snop  }
0x45: {  	[tilespmem:s15], [sflag:$0x1] =	stream.indirect_vreg.gather [hbm4b:s5+s2], $0x80, v3, vm0, $0xb8;
	[tilespmem:$0x10100] =	vst v63  }
0x46: {  	_ = 	snop  }
0x47: {  	[tilespmem:s16], [sflag:$0x1] =	stream.indirect_vreg.gather [hbm4b:s6+s2], $0x80, v3, vm0, $0xb8;
	[tilespmem:$0x10100] =	vst v63  }
0x48: {  	s23 =	rddreg [dreg:$0x4]  }
0x49: {  	[tilespmem:s17], [sflag:$0x5] =	stream.linear.gather [hbm4b:s23+s2], $0x20, $0x38;
	[tilespmem:$0x10100] =	vst v63  }
0x4a: {  	_ =	swait.ge [sflag:s8], $0x20  }
0x4b: {  	[sflag:s8] =	ssyncset.done $0x0  }
0x4c: {  	[sflag:s8] =	ssyncadd.s32 $0xFFFFFFE0  }
0x4d: {  	v3 =	vld [tilespmem:$0x80];
	_ =	sdelay $0x4  }
0x4e: {  	v58 =	vshll.u32 v3, $0x3  }
0x4f: {  	v3 =	vand.u32 $0x7, v3;
	v4 =	vand.u32 $0xFFFFFFC0, v58  }
0x50: {  	v3 =	vor.u32 v3, v4  }
0x51: {  	v4 =	vperm.xlane v3, v0;
	_ =	sdelay $0x1  }
0x52: {  	v4 =	vadd.s32 v1, v4;
	_ =	sdelay $0x4  }
0x53: {  	[tilespmem:s19], [sflag:$0x2] =	stream.indirect_vreg.gather [hbm4b:s3+s2], $0x80, v4, vm0, $0xb8;
	[tilespmem:$0x10100] =	vst v63  }
0x54: {  	v3 =	vperm.xlane v3, v2  }
0x55: {  	[tilespmem:s18], [sflag:$0x2] =	stream.indirect_vreg.gather [hbm4b:s4+s2], $0x80, v4, vm0, $0xb8;
	[tilespmem:$0x10100] =	vst v63  }
0x56: {  	s23 =	simm.s32 $0x9100;
	v3 =	vadd.s32 v1, v3  }
0x57: {  	[tilespmem:s23], [sflag:$0x2] =	stream.indirect_vreg.gather [hbm4b:s5+s2], $0x80, v4, vm0, $0xb8;
	[tilespmem:$0x10100] =	vst v63  }
0x58: {  	s23 =	simm.s32 $0x9900  }
0x59: {  	[tilespmem:s23], [sflag:$0x2] =	stream.indirect_vreg.gather [hbm4b:s6+s2], $0x80, v4, vm0, $0xb8;
	[tilespmem:$0x10100] =	vst v63  }
0x5a: {  	s23 =	simm.s32 $0xA100  }
0x5b: {  	[tilespmem:s23], [sflag:$0x2] =	stream.indirect_vreg.gather [hbm4b:s3+s2], $0x80, v3, vm0, $0xb8;
	[tilespmem:$0x10100] =	vst v63  }
0x5c: {  	s23 =	simm.s32 $0xA900  }
0x5d: {  	[tilespmem:s23], [sflag:$0x2] =	stream.indirect_vreg.gather [hbm4b:s4+s2], $0x80, v3, vm0, $0xb8;
	[tilespmem:$0x10100] =	vst v63  }
0x5e: {  	s23 =	simm.s32 $0xB100  }
0x5f: {  	[tilespmem:s23], [sflag:$0x2] =	stream.indirect_vreg.gather [hbm4b:s5+s2], $0x80, v3, vm0, $0xb8;
	[tilespmem:$0x10100] =	vst v63  }
0x60: {  	s23 =	simm.s32 $0xB900  }
0x61: {  	[tilespmem:s23], [sflag:$0x2] =	stream.indirect_vreg.gather [hbm4b:s6+s2], $0x80, v3, vm0, $0xb8;
	[tilespmem:$0x10100] =	vst v63  }
0x62: {  	v3 =	vld [tilespmem:$0x90];
	_ =	sdelay $0x4  }
0x63: {  	v59 =	vshll.u32 v3, $0x3  }
0x64: {  	v3 =	vand.u32 $0x7, v3;
	v4 =	vand.u32 $0xFFFFFFC0, v59  }
0x65: {  	v3 =	vor.u32 v3, v4  }
0x66: {  	v4 =	vperm.xlane v3, v0;
	_ =	sdelay $0x1  }
0x67: {  	v4 =	vadd.s32 v1, v4;
	_ =	sdelay $0x3  }
0x68: {  	s23 =	simm.s32 $0xC100  }
0x69: {  	[tilespmem:s23], [sflag:$0x2] =	stream.indirect_vreg.gather [hbm4b:s3+s2], $0x80, v4, vm0, $0xb8;
	[tilespmem:$0x10100] =	vst v63  }
0x6a: {  	v3 =	vperm.xlane v3, v2;
	s23 =	simm.s32 $0xC900  }
0x6b: {  	[tilespmem:s23], [sflag:$0x2] =	stream.indirect_vreg.gather [hbm4b:s4+s2], $0x80, v4, vm0, $0xb8;
	[tilespmem:$0x10100] =	vst v63  }
0x6c: {  	v3 =	vadd.s32 v1, v3;
	s23 =	simm.s32 $0xD100  }
0x6d: {  	[tilespmem:s23], [sflag:$0x2] =	stream.indirect_vreg.gather [hbm4b:s5+s2], $0x80, v4, vm0, $0xb8;
	[tilespmem:$0x10100] =	vst v63  }
0x6e: {  	s23 =	simm.s32 $0xD900  }
0x6f: {  	[tilespmem:s23], [sflag:$0x2] =	stream.indirect_vreg.gather [hbm4b:s6+s2], $0x80, v4, vm0, $0xb8;
	[tilespmem:$0x10100] =	vst v63  }
0x70: {  	s23 =	simm.s32 $0xE100  }
0x71: {  	[tilespmem:s23], [sflag:$0x2] =	stream.indirect_vreg.gather [hbm4b:s3+s2], $0x80, v3, vm0, $0xb8;
	[tilespmem:$0x10100] =	vst v63  }
0x72: {  	s23 =	simm.s32 $0xE900  }
0x73: {  	[tilespmem:s23], [sflag:$0x2] =	stream.indirect_vreg.gather [hbm4b:s4+s2], $0x80, v3, vm0, $0xb8;
	[tilespmem:$0x10100] =	vst v63  }
0x74: {  	s23 =	simm.s32 $0xF100  }
0x75: {  	[tilespmem:s23], [sflag:$0x2] =	stream.indirect_vreg.gather [hbm4b:s5+s2], $0x80, v3, vm0, $0xb8;
	[tilespmem:$0x10100] =	vst v63  }
0x76: {  	s23 =	simm.s32 $0xF900  }
0x77: {  	[tilespmem:s23], [sflag:$0x2] =	stream.indirect_vreg.gather [hbm4b:s6+s2], $0x80, v3, vm0, $0xb8;
	[tilespmem:$0x10100] =	vst v63  }
0x78: {  	_ =	swait.ge [sflag:s9], $0x8000  }
0x79: {  	[sflag:s9] =	ssyncset.done $0x0  }
0x7a: {  	s23 =	rddreg [dreg:$0x5];
	[sflag:s9] =	ssyncadd.s32 $0xFFFF8000  }
0x7b: {  	[hbm4b:s23+s2] =	stream.linear.scatter [tilespmem:s26], [sflag:$0x3], $0x8000, $0x38;
	[tilespmem:$0x10100] =	vst v63  }
0x7c: {  	_ =	swait.ge [sflag:s20], $0x8000  }
0x7d: {  	[sflag:s20] =	ssyncset.done $0x0  }
0x7e: {  	s23 =	rddreg [dreg:$0x6];
	[sflag:s20] =	ssyncadd.s32 $0xFFFF8000  }
0x7f: {  	[tilespmem:s2], [sflag:$0x5] =	stream.linear.gather [hbm4b:s23+s2], $0x20, $0x38;
	[tilespmem:$0x10100] =	vst v63  }
0x80: {  	_ =	swait.ge [sflag:s8], $0x20  }
0x81: {  	[sflag:s8] =	ssyncset.done $0x0  }
0x82: {  	[sflag:s8] =	ssyncadd.s32 $0xFFFFFFE0  }
0x83: {  	v3 =	vld [tilespmem:$0x0];
	_ =	sdelay $0x4  }
0x84: {  	v60 =	vshll.u32 v3, $0x3  }
0x85: {  	v3 =	vand.u32 $0x7, v3;
	v4 =	vand.u32 $0xFFFFFFC0, v60  }
0x86: {  	v3 =	vor.u32 v3, v4  }
0x87: {  	v4 =	vperm.xlane v3, v0;
	_ =	sdelay $0x1  }
0x88: {  	v4 =	vadd.s32 v1, v4;
	_ =	sdelay $0x4  }
0x89: {  	[tilespmem:s26], [sflag:$0x1] =	stream.indirect_vreg.gather [hbm4b:s3+s2], $0x80, v4, vm0, $0xb8;
	[tilespmem:$0x10100] =	vst v63  }
0x8a: {  	v3 =	vperm.xlane v3, v2  }
0x8b: {  	[tilespmem:s24], [sflag:$0x1] =	stream.indirect_vreg.gather [hbm4b:s4+s2], $0x80, v4, vm0, $0xb8;
	[tilespmem:$0x10100] =	vst v63  }
0x8c: {  	v3 =	vadd.s32 v1, v3  }
0x8d: {  	[tilespmem:s25], [sflag:$0x1] =	stream.indirect_vreg.gather [hbm4b:s5+s2], $0x80, v4, vm0, $0xb8;
	[tilespmem:$0x10100] =	vst v63  }
0x8e: {  	_ = 	snop  }
0x8f: {  	[tilespmem:s28], [sflag:$0x1] =	stream.indirect_vreg.gather [hbm4b:s6+s2], $0x80, v4, vm0, $0xb8;
	[tilespmem:$0x10100] =	vst v63  }
0x90: {  	_ = 	snop  }
0x91: {  	[tilespmem:s29], [sflag:$0x1] =	stream.indirect_vreg.gather [hbm4b:s3+s2], $0x80, v3, vm0, $0xb8;
	[tilespmem:$0x10100] =	vst v63  }
0x92: {  	_ = 	snop  }
0x93: {  	[tilespmem:s30], [sflag:$0x1] =	stream.indirect_vreg.gather [hbm4b:s4+s2], $0x80, v3, vm0, $0xb8;
	[tilespmem:$0x10100] =	vst v63  }
0x94: {  	_ = 	snop  }
0x95: {  	[tilespmem:s31], [sflag:$0x1] =	stream.indirect_vreg.gather [hbm4b:s5+s2], $0x80, v3, vm0, $0xb8;
	[tilespmem:$0x10100] =	vst v63  }
0x96: {  	_ = 	snop  }
0x97: {  	[tilespmem:s0], [sflag:$0x1] =	stream.indirect_vreg.gather [hbm4b:s6+s2], $0x80, v3, vm0, $0xb8;
	[tilespmem:$0x10100] =	vst v63  }
0x98: {  	v3 =	vld [tilespmem:$0x10];
	_ =	sdelay $0x4  }
0x99: {  	v61 =	vshll.u32 v3, $0x3  }
0x9a: {  	v3 =	vand.u32 $0x7, v3;
	v4 =	vand.u32 $0xFFFFFFC0, v61  }
0x9b: {  	v3 =	vor.u32 v3, v4  }
0x9c: {  	v4 =	vperm.xlane v3, v0;
	_ =	sdelay $0x1  }
0x9d: {  	v4 =	vadd.s32 v1, v4;
	_ =	sdelay $0x4  }
0x9e: {  	[tilespmem:s1], [sflag:$0x1] =	stream.indirect_vreg.gather [hbm4b:s3+s2], $0x80, v4, vm0, $0xb8;
	[tilespmem:$0x10100] =	vst v63  }
0x9f: {  	v3 =	vperm.xlane v3, v2  }
0xa0: {  	[tilespmem:s10], [sflag:$0x1] =	stream.indirect_vreg.gather [hbm4b:s4+s2], $0x80, v4, vm0, $0xb8;
	[tilespmem:$0x10100] =	vst v63  }
0xa1: {  	v3 =	vadd.s32 v1, v3  }
0xa2: {  	[tilespmem:s11], [sflag:$0x1] =	stream.indirect_vreg.gather [hbm4b:s5+s2], $0x80, v4, vm0, $0xb8;
	[tilespmem:$0x10100] =	vst v63  }
0xa3: {  	_ = 	snop  }
0xa4: {  	[tilespmem:s12], [sflag:$0x1] =	stream.indirect_vreg.gather [hbm4b:s6+s2], $0x80, v4, vm0, $0xb8;
	[tilespmem:$0x10100] =	vst v63  }
0xa5: {  	_ = 	snop  }
0xa6: {  	[tilespmem:s13], [sflag:$0x1] =	stream.indirect_vreg.gather [hbm4b:s3+s2], $0x80, v3, vm0, $0xb8;
	[tilespmem:$0x10100] =	vst v63  }
0xa7: {  	_ = 	snop  }
0xa8: {  	[tilespmem:s14], [sflag:$0x1] =	stream.indirect_vreg.gather [hbm4b:s4+s2], $0x80, v3, vm0, $0xb8;
	[tilespmem:$0x10100] =	vst v63  }
0xa9: {  	_ = 	snop  }
0xaa: {  	[tilespmem:s15], [sflag:$0x1] =	stream.indirect_vreg.gather [hbm4b:s5+s2], $0x80, v3, vm0, $0xb8;
	[tilespmem:$0x10100] =	vst v63  }
0xab: {  	_ = 	snop  }
0xac: {  	[tilespmem:s16], [sflag:$0x1] =	stream.indirect_vreg.gather [hbm4b:s6+s2], $0x80, v3, vm0, $0xb8;
	[tilespmem:$0x10100] =	vst v63  }
0xad: {  	_ =	swait.ge [sflag:s21], $0x8000  }
0xae: {  	[sflag:s21] =	ssyncset.done $0x0  }
0xaf: {  	s0 =	rddreg [dreg:$0x7];
	[sflag:s21] =	ssyncadd.s32 $0xFFFF8000  }
0xb0: {  	[hbm4b:s0+s2] =	stream.linear.scatter [tilespmem:s19], [sflag:$0x4], $0x8000, $0x38;
	[tilespmem:$0x10100] =	vst v63  }
0xb1: {  	_ =	swait.ge [sflag:s22], $0x8000  }
0xb2: {  	[sflag:s22] =	ssyncset.done $0x0  }
0xb3: {  	s0 =	rddreg [dreg:$0x8];
	[sflag:s22] =	ssyncadd.s32 $0xFFFF8000  }
0xb4: {  	[tilespmem:s17], [sflag:$0x5] =	stream.linear.gather [hbm4b:s0+s2], $0x20, $0x38;
	[tilespmem:$0x10100] =	vst v63  }
0xb5: {  	_ =	swait.ge [sflag:s8], $0x20  }
0xb6: {  	[sflag:s8] =	ssyncset.done $0x0  }
0xb7: {  	[sflag:s8] =	ssyncadd.s32 $0xFFFFFFE0  }
0xb8: {  	v3 =	vld [tilespmem:$0x80];
	_ =	sdelay $0x4  }
0xb9: {  	v62 =	vshll.u32 v3, $0x3  }
0xba: {  	v3 =	vand.u32 $0x7, v3;
	v4 =	vand.u32 $0xFFFFFFC0, v62  }
0xbb: {  	v3 =	vor.u32 v3, v4  }
0xbc: {  	v4 =	vperm.xlane v3, v0;
	_ =	sdelay $0x1  }
0xbd: {  	v4 =	vadd.s32 v1, v4;
	_ =	sdelay $0x4  }
0xbe: {  	[tilespmem:s19], [sflag:$0x2] =	stream.indirect_vreg.gather [hbm4b:s3+s2], $0x80, v4, vm0, $0xb8;
	[tilespmem:$0x10100] =	vst v63  }
0xbf: {  	v3 =	vperm.xlane v3, v2  }
0xc0: {  	[tilespmem:s18], [sflag:$0x2] =	stream.indirect_vreg.gather [hbm4b:s4+s2], $0x80, v4, vm0, $0xb8;
	[tilespmem:$0x10100] =	vst v63  }
0xc1: {  	s23 =	simm.s32 $0x9100;
	v3 =	vadd.s32 v1, v3  }
0xc2: {  	[tilespmem:s23], [sflag:$0x2] =	stream.indirect_vreg.gather [hbm4b:s5+s2], $0x80, v4, vm0, $0xb8;
	[tilespmem:$0x10100] =	vst v63  }
0xc3: {  	s23 =	simm.s32 $0x9900  }
0xc4: {  	[tilespmem:s23], [sflag:$0x2] =	stream.indirect_vreg.gather [hbm4b:s6+s2], $0x80, v4, vm0, $0xb8;
	[tilespmem:$0x10100] =	vst v63  }
0xc5: {  	s23 =	simm.s32 $0xA100  }
0xc6: {  	[tilespmem:s23], [sflag:$0x2] =	stream.indirect_vreg.gather [hbm4b:s3+s2], $0x80, v3, vm0, $0xb8;
	[tilespmem:$0x10100] =	vst v63  }
0xc7: {  	s23 =	simm.s32 $0xA900  }
0xc8: {  	[tilespmem:s23], [sflag:$0x2] =	stream.indirect_vreg.gather [hbm4b:s4+s2], $0x80, v3, vm0, $0xb8;
	[tilespmem:$0x10100] =	vst v63  }
0xc9: {  	s23 =	simm.s32 $0xB100  }
0xca: {  	[tilespmem:s23], [sflag:$0x2] =	stream.indirect_vreg.gather [hbm4b:s5+s2], $0x80, v3, vm0, $0xb8;
	[tilespmem:$0x10100] =	vst v63  }
0xcb: {  	s23 =	simm.s32 $0xB900  }
0xcc: {  	[tilespmem:s23], [sflag:$0x2] =	stream.indirect_vreg.gather [hbm4b:s6+s2], $0x80, v3, vm0, $0xb8;
	[tilespmem:$0x10100] =	vst v63  }
0xcd: {  	v3 =	vld [tilespmem:$0x90];
	_ =	sdelay $0x4  }
0xce: {  	v63 =	vshll.u32 v3, $0x3  }
0xcf: {  	v3 =	vand.u32 $0x7, v3;
	v4 =	vand.u32 $0xFFFFFFC0, v63  }
0xd0: {  	v3 =	vor.u32 v3, v4  }
0xd1: {  	v4 =	vperm.xlane v3, v0;
	_ =	sdelay $0x1  }
0xd2: {  	v4 =	vadd.s32 v1, v4;
	_ =	sdelay $0x3  }
0xd3: {  	s23 =	simm.s32 $0xC100  }
0xd4: {  	[tilespmem:s23], [sflag:$0x2] =	stream.indirect_vreg.gather [hbm4b:s3+s2], $0x80, v4, vm0, $0xb8;
	[tilespmem:$0x10100] =	vst v63  }
0xd5: {  	v3 =	vperm.xlane v3, v2;
	s23 =	simm.s32 $0xC900  }
0xd6: {  	[tilespmem:s23], [sflag:$0x2] =	stream.indirect_vreg.gather [hbm4b:s4+s2], $0x80, v4, vm0, $0xb8;
	[tilespmem:$0x10100] =	vst v63  }
0xd7: {  	v3 =	vadd.s32 v1, v3;
	s23 =	simm.s32 $0xD100  }
0xd8: {  	[tilespmem:s23], [sflag:$0x2] =	stream.indirect_vreg.gather [hbm4b:s5+s2], $0x80, v4, vm0, $0xb8;
	[tilespmem:$0x10100] =	vst v63  }
0xd9: {  	s23 =	simm.s32 $0xD900  }
0xda: {  	[tilespmem:s23], [sflag:$0x2] =	stream.indirect_vreg.gather [hbm4b:s6+s2], $0x80, v4, vm0, $0xb8;
	[tilespmem:$0x10100] =	vst v63  }
0xdb: {  	s23 =	simm.s32 $0xE100  }
0xdc: {  	[tilespmem:s23], [sflag:$0x2] =	stream.indirect_vreg.gather [hbm4b:s3+s2], $0x80, v3, vm0, $0xb8;
	[tilespmem:$0x10100] =	vst v63  }
0xdd: {  	s23 =	simm.s32 $0xE900  }
0xde: {  	[tilespmem:s23], [sflag:$0x2] =	stream.indirect_vreg.gather [hbm4b:s4+s2], $0x80, v3, vm0, $0xb8;
	[tilespmem:$0x10100] =	vst v63  }
0xdf: {  	s23 =	simm.s32 $0xF100  }
0xe0: {  	[tilespmem:s23], [sflag:$0x2] =	stream.indirect_vreg.gather [hbm4b:s5+s2], $0x80, v3, vm0, $0xb8;
	[tilespmem:$0x10100] =	vst v63  }
0xe1: {  	s23 =	simm.s32 $0xF900  }
0xe2: {  	[tilespmem:s23], [sflag:$0x2] =	stream.indirect_vreg.gather [hbm4b:s6+s2], $0x80, v3, vm0, $0xb8;
	[tilespmem:$0x10100] =	vst v63  }
0xe3: {  	_ =	swait.ge [sflag:s9], $0x8000  }
0xe4: {  	[sflag:s9] =	ssyncset.done $0x0  }
0xe5: {  	s0 =	rddreg [dreg:$0x9];
	[sflag:s9] =	ssyncadd.s32 $0xFFFF8000  }
0xe6: {  	[hbm4b:s0+s2] =	stream.linear.scatter [tilespmem:s26], [sflag:$0x3], $0x8000, $0x38;
	[tilespmem:$0x10100] =	vst v63  }
0xe7: {  	_ =	swait.ge [sflag:s21], $0x8000  }
0xe8: {  	[sflag:s21] =	ssyncset.done $0x0  }
0xe9: {  	s0 =	rddreg [dreg:$0xa];
	[sflag:s21] =	ssyncadd.s32 $0xFFFF8000  }
0xea: {  	[hbm4b:s0+s2] =	stream.linear.scatter [tilespmem:s19], [sflag:$0x4], $0x8000, $0x38;
	[tilespmem:$0x10100] =	vst v63  }
0xeb: {  	p0 =	sne.s32 s7, $0x1;
	_ =	swait.ge [sflag:s20], $0x8000  }
.Ltmp0:
0xec: {  	[sflag:s20] =	ssyncset.done $0x0;
	(pc) =	sbr.rel @p0 .LBB2_1-.Ltmp0, $4  }
0xed: {  	[sflag:s20] =	ssyncadd.s32 $0xFFFF8000  }
0xee: {  	_ =	swait.ge [sflag:s22], $0x8000  }
0xef: {  	[sflag:s22] =	ssyncset.done $0x0  }
0xf0: {  	s7 =	sadd.s32 $0xFFFFFFFF, s7;
	[sflag:s22] =	ssyncadd.s32 $0xFFFF8000  }
0xf1: {  	_ =	sfence.sel $0x180000  }
0xf2: {  	[bflag:$0x0] =	sbarrier.arrive $0xFFFF  }
0xf3: {  	_ =	strace $0x9000004A  }
0xf4: {  	s0 =	stileid.u32;
	[bflag:$0x2] =	sbarrier.arrive $0xFFFF  }
0xf5: {  	p0 =	sne.s32 s0, $0x0;
	s0 =	rddreg [dreg:$0x2]  }
0xf6: {  	s0 =	sadd.s32 @!p0 $0x100000, s0  }
0xf7: {  	[sflag:s0] =	ssyncadd.tile.s32 @!p0 $0x1;
	_ =	shalt  }
.Lfunc_end2:
_tile_overlayer_lowered:
.L_overlay_start_2:
0xf8: {  	(tag) =	ssettag $0x2  }
0xf9: {  	s0 =	rddreg [dreg:$0x0];
	s2 =	stileid.u32  }
0xfa: {  	s1 =	rddreg [dreg:$0x1];
	p0 =	sne.s32 s2, $0x0  }
0xfb: {  	s3 =	rddreg [dreg:$0x2];
	[bflag:$0x3] =	sbarrier.arrive $0xFFFF;
	s2 =	simm.s32 @!p0 $0x1C05  }
0xfc: {  	[timem:s3], [sflag:s2] =	dma.local @!p0 [hbm:s0], s1  }
0xfd: {  	s0 =	simm.s32 @!p0 $0x5  }
0xfe: {  	_ =	swait.ge @!p0 [sflag:s0], s1  }
0xff: {  	s1 =	ssub.s32 @!p0 $0x0, s1;
	[sflag:s0] =	ssyncset.done @!p0 $0x0  }
0x100: {  	[sflag:s0] =	ssyncadd.s32 @!p0 s1  }
0x101: {  	[bflag:$0x3] =	sbarrier.arrive $0xFFFF  }
0x102: {  	_ =	shalt  }

</sc_bundles>
